<compile_context>
chip_gen: v7x
topology: tpu7x:2x2x1
jax: 0.10.2.dev20260603
libtpu: 0.0.44.dev20260713+nightly
codegen_flags: <defaults>
</compile_context>

<pallas_src>
import functools

import jax
import jax.numpy as jnp
from jax import lax
from jax.experimental import pallas as pl
from jax.experimental.pallas import tpu as pltpu
from jax.experimental.pallas import tpu_sc as plsc

E = 320000
N = 10000
D = 128
BT = 2560
NC, NS = 2, 16
L = 16
CW = 16
_EPS = 1e-5

OWN = 5120
TR = 5248
RPT = TR // NS
WPT = OWN // NS
CHS = 128
GCH = E // CHS

CH = 80
EPW = E // (NC * NS)
NCH = EPW // CH


def _elu(x):
    return jnp.where(x > 0, x, jnp.exp(jnp.minimum(x, 0.0)) - 1.0)



def _s1_body(ea, w1, b1, w2, b2, h2o, st):
    i = pl.program_id(0)
    h = _elu(jnp.dot(ea[...], w1[...], preferred_element_type=jnp.float32) + b1[...])
    h = _elu(jnp.dot(h, w2[...], preferred_element_type=jnp.float32) + b2[...])
    h2o[...] = h

    @pl.when(i == 0)
    def _():
        st[...] = jnp.zeros_like(st)

    st[0:1, :] += jnp.sum(h, axis=0, keepdims=True)
    st[1:2, :] += jnp.sum(h * h, axis=0, keepdims=True)


_stage1 = pl.pallas_call(
    _s1_body,
    grid=(E // BT,),
    in_specs=[pl.BlockSpec((BT, D), lambda i: (i, 0)),
              pl.BlockSpec((D, D), lambda i: (0, 0)),
              pl.BlockSpec((1, D), lambda i: (0, 0)),
              pl.BlockSpec((D, D), lambda i: (0, 0)),
              pl.BlockSpec((1, D), lambda i: (0, 0))],
    out_specs=[pl.BlockSpec((BT, D), lambda i: (i, 0)),
               pl.BlockSpec((8, D), lambda i: (0, 0))],
    out_shape=[jax.ShapeDtypeStruct((E, D), jnp.float32),
               jax.ShapeDtypeStruct((8, D), jnp.float32)],
)



def _n_chunks(sid):
    extra = GCH - (GCH // NS) * NS
    return GCH // NS + jnp.where(sid < extra, 1, 0)


def _seg_scatter_body(h2_hbm, dst_hbm, zrow_hbm,
                      seg_out, rows_v, idx_v, stage_v, table_s):
    cid = lax.axis_index("c")
    sid = lax.axis_index("s")
    nbase = cid * OWN

    pltpu.sync_copy(zrow_hbm, stage_v)
    pltpu.sync_copy(stage_v, table_s.at[pl.ds(sid * RPT, RPT), :])
    plsc.subcore_barrier()

    def body(i, carry):
        off = (sid + i * NS) * CHS
        pltpu.sync_copy(dst_hbm.at[pl.ds(off, CHS)], idx_v)
        pltpu.sync_copy(h2_hbm.at[pl.ds(off, CHS), :], rows_v)
        lane = lax.iota(jnp.int32, L)
        for j in range(CHS // L):
            v = idx_v[pl.ds(j * L, L)]
            loc = v - nbase
            ok = (loc >= 0) & (loc < OWN)
            loc = jnp.where(ok, loc, OWN + lane)
            pltpu.sync_copy(rows_v.at[pl.ds(j * L, L), :],
                            table_s.at[loc], add=True)
        return carry

    lax.fori_loop(0, _n_chunks(sid), body, 0)
    plsc.subcore_barrier()

    pltpu.sync_copy(table_s.at[pl.ds(sid * WPT, WPT), :],
                    stage_v.at[pl.ds(0, WPT), :])
    pltpu.sync_copy(stage_v.at[pl.ds(0, WPT), :],
                    seg_out.at[cid, pl.ds(sid * WPT, WPT), :])


@functools.cache
def _mk_seg_scatter():
    mesh = plsc.VectorSubcoreMesh(core_axis_name="c", subcore_axis_name="s",
                                  num_cores=NC, num_subcores=NS)
    return pl.kernel(
        _seg_scatter_body,
        out_type=jax.ShapeDtypeStruct((NC, OWN, D), jnp.float32),
        mesh=mesh,
        scratch_types=[pltpu.VMEM((CHS, D), jnp.float32),
                       pltpu.VMEM((CHS,), jnp.int32),
                       pltpu.VMEM((RPT, D), jnp.float32),
                       pltpu.VMEM_SHARED((TR, D), jnp.float32)])


def _cnt_scatter_body(dst_hbm, zcnt_hbm, ones_hbm,
                      cnt_out, idx_v, ones_v, stagec_v, cnt_s):
    cid = lax.axis_index("c")
    sid = lax.axis_index("s")
    nbase = cid * OWN

    pltpu.sync_copy(zcnt_hbm, stagec_v)
    pltpu.sync_copy(stagec_v, cnt_s.at[pl.ds(sid * RPT, RPT), :])
    pltpu.sync_copy(ones_hbm, ones_v)
    plsc.subcore_barrier()

    def body(i, carry):
        off = (sid + i * NS) * CHS
        pltpu.sync_copy(dst_hbm.at[pl.ds(off, CHS)], idx_v)
        lane = lax.iota(jnp.int32, L)
        for j in range(CHS // L):
            v = idx_v[pl.ds(j * L, L)]
            loc = v - nbase
            ok = (loc >= 0) & (loc < OWN)
            idx_v[pl.ds(j * L, L)] = jnp.where(ok, loc, OWN + lane)
        pltpu.sync_copy(ones_v, cnt_s.at[idx_v], add=True)
        return carry

    lax.fori_loop(0, _n_chunks(sid), body, 0)
    plsc.subcore_barrier()

    pltpu.sync_copy(cnt_s.at[pl.ds(sid * WPT, WPT), :],
                    stagec_v.at[pl.ds(0, WPT), :])
    pltpu.sync_copy(stagec_v.at[pl.ds(0, WPT), :],
                    cnt_out.at[cid, pl.ds(sid * WPT, WPT), :])


@functools.cache
def _mk_cnt_scatter():
    mesh = plsc.VectorSubcoreMesh(core_axis_name="c", subcore_axis_name="s",
                                  num_cores=NC, num_subcores=NS)
    return pl.kernel(
        _cnt_scatter_body,
        out_type=jax.ShapeDtypeStruct((NC, OWN, CW), jnp.float32),
        mesh=mesh,
        scratch_types=[pltpu.VMEM((CHS,), jnp.int32),
                       pltpu.VMEM((CHS, CW), jnp.float32),
                       pltpu.VMEM((RPT, CW), jnp.float32),
                       pltpu.VMEM_SHARED((TR, CW), jnp.float32)])



def _s3_body(seg2, cnt2, st1, ig, ibt, w1, b1, w2, b2, g, bt, wm, wb,
             hpo, hqo):
    seg = jnp.concatenate([seg2[0, 0:OWN, :], seg2[1, 0:N - OWN, :]], axis=0)
    cnt = jnp.concatenate([cnt2[0, 0:OWN, 0:1], cnt2[1, 0:N - OWN, 0:1]], axis=0)
    mu1 = st1[0:1, :] / E
    var1 = st1[1:2, :] / E - mu1 * mu1
    s1 = ig[...] * lax.rsqrt(var1 + _EPS)
    sh1 = ibt[...] - mu1 * s1
    node = (seg * s1 + cnt * sh1) / jnp.maximum(cnt, 1.0)
    h = _elu(jnp.dot(node, w1[...], preferred_element_type=jnp.float32) + b1[...])
    h = _elu(jnp.dot(h, w2[...], preferred_element_type=jnp.float32) + b2[...])
    mu = jnp.mean(h, axis=0, keepdims=True)
    var = jnp.mean((h - mu) ** 2, axis=0, keepdims=True)
    h = (h - mu) * lax.rsqrt(var + _EPS) * g[...] + bt[...]
    hpo[...] = jnp.dot(h, wm[...], preferred_element_type=jnp.float32)
    hqo[...] = jnp.dot(h, wb[...], preferred_element_type=jnp.float32)


_stage3 = pl.pallas_call(
    _s3_body,
    grid=(1,),
    in_specs=[pl.BlockSpec((NC, OWN, D), lambda i: (0, 0, 0)),
              pl.BlockSpec((NC, OWN, CW), lambda i: (0, 0, 0)),
              pl.BlockSpec((8, D), lambda i: (0, 0)),
              pl.BlockSpec((1, D), lambda i: (0, 0)),
              pl.BlockSpec((1, D), lambda i: (0, 0)),
              pl.BlockSpec((D, D), lambda i: (0, 0)),
              pl.BlockSpec((1, D), lambda i: (0, 0)),
              pl.BlockSpec((D, D), lambda i: (0, 0)),
              pl.BlockSpec((1, D), lambda i: (0, 0)),
              pl.BlockSpec((1, D), lambda i: (0, 0)),
              pl.BlockSpec((1, D), lambda i: (0, 0)),
              pl.BlockSpec((D, D), lambda i: (0, 0)),
              pl.BlockSpec((D, D), lambda i: (0, 0))],
    out_specs=[pl.BlockSpec((N, D), lambda i: (0, 0)),
               pl.BlockSpec((N, D), lambda i: (0, 0))],
    out_shape=[jax.ShapeDtypeStruct((N, D), jnp.float32),
               jax.ShapeDtypeStruct((N, D), jnp.float32)],
)



def _gather2_body(hp_hbm, hq_hbm, src_hbm, dst_hbm, hps_out, hqd_out,
                  idx1_v, rows1_v, idx2_v, rows2_v, sem1, sem2):
    cid = lax.axis_index("c")
    sid = lax.axis_index("s")
    base = (sid * NC + cid) * EPW

    def body(i, carry):
        off = base + i * CH
        pltpu.sync_copy(src_hbm.at[pl.ds(off, CH)], idx1_v)
        pltpu.sync_copy(dst_hbm.at[pl.ds(off, CH)], idx2_v)
        cp1 = pltpu.async_copy(hp_hbm.at[idx1_v], rows1_v, sem1)
        cp2 = pltpu.async_copy(hq_hbm.at[idx2_v], rows2_v, sem2)
        cp1.wait()
        cp2.wait()
        pltpu.sync_copy(rows1_v, hps_out.at[pl.ds(off, CH), :])
        pltpu.sync_copy(rows2_v, hqd_out.at[pl.ds(off, CH), :])
        return carry

    lax.fori_loop(0, NCH, body, 0)


@functools.cache
def _mk_gather2():
    mesh = plsc.VectorSubcoreMesh(core_axis_name="c", subcore_axis_name="s",
                                  num_cores=NC, num_subcores=NS)
    return pl.kernel(
        _gather2_body,
        out_type=[jax.ShapeDtypeStruct((E, D), jnp.float32),
                  jax.ShapeDtypeStruct((E, D), jnp.float32)],
        mesh=mesh,
        scratch_types=[pltpu.VMEM((CH,), jnp.int32),
                       pltpu.VMEM((CH, D), jnp.float32),
                       pltpu.VMEM((CH,), jnp.int32),
                       pltpu.VMEM((CH, D), jnp.float32),
                       pltpu.SemaphoreType.DMA,
                       pltpu.SemaphoreType.DMA])



def _s5_body(ea, hps, hqd, w1, b1, w2, b2, x2o, st):
    i = pl.program_id(0)
    x1 = _elu(jnp.dot(ea[...], w1[...], preferred_element_type=jnp.float32)
              + hps[...] + hqd[...] + b1[...])
    x2 = _elu(jnp.dot(x1, w2[...], preferred_element_type=jnp.float32) + b2[...])
    x2o[...] = x2

    @pl.when(i == 0)
    def _():
        st[...] = jnp.zeros_like(st)

    st[0:1, :] += jnp.sum(x2, axis=0, keepdims=True)
    st[1:2, :] += jnp.sum(x2 * x2, axis=0, keepdims=True)


_stage5 = pl.pallas_call(
    _s5_body,
    grid=(E // BT,),
    in_specs=[pl.BlockSpec((BT, D), lambda i: (i, 0)),
              pl.BlockSpec((BT, D), lambda i: (i, 0)),
              pl.BlockSpec((BT, D), lambda i: (i, 0)),
              pl.BlockSpec((D, D), lambda i: (0, 0)),
              pl.BlockSpec((1, D), lambda i: (0, 0)),
              pl.BlockSpec((D, D), lambda i: (0, 0)),
              pl.BlockSpec((1, D), lambda i: (0, 0))],
    out_specs=[pl.BlockSpec((BT, D), lambda i: (i, 0)),
               pl.BlockSpec((8, D), lambda i: (0, 0))],
    out_shape=[jax.ShapeDtypeStruct((E, D), jnp.float32),
               jax.ShapeDtypeStruct((8, D), jnp.float32)],
)



def _s6_body(x2, st, g, bt, out):
    mu = st[0:1, :] / E
    var = st[1:2, :] / E - mu * mu
    s = g[...] * lax.rsqrt(var + _EPS)
    out[...] = x2[...] * s + (bt[...] - mu * s)


_stage6 = pl.pallas_call(
    _s6_body,
    grid=(E // BT,),
    in_specs=[pl.BlockSpec((BT, D), lambda i: (i, 0)),
              pl.BlockSpec((8, D), lambda i: (0, 0)),
              pl.BlockSpec((1, D), lambda i: (0, 0)),
              pl.BlockSpec((1, D), lambda i: (0, 0))],
    out_specs=pl.BlockSpec((BT, D), lambda i: (i, 0)),
    out_shape=jax.ShapeDtypeStruct((E, D), jnp.float32),
)


def kernel(edge_attr, edge_index,
           init_W1, init_b1, init_W2, init_b2, init_g, init_bt,
           node_W1, node_b1, node_W2, node_b2, node_g, node_bt,
           edge_W1, edge_b1, edge_W2, edge_b2, edge_g, edge_bt):
    src = edge_index[0]
    dst = edge_index[1]
    r1 = lambda v: v.reshape(1, D)

    h2a, st1 = _stage1(edge_attr, init_W1, r1(init_b1), init_W2, r1(init_b2))

    zrow = jnp.zeros((RPT, D), jnp.float32)
    seg = _mk_seg_scatter()(h2a, dst, zrow)
    cnt_full = jax.ops.segment_sum(jnp.ones((E,), jnp.float32), dst,
                                   num_segments=2 * OWN)
    cnt = jnp.stack([jnp.broadcast_to(cnt_full[0:OWN, None], (OWN, CW)),
                     jnp.broadcast_to(cnt_full[OWN:2 * OWN, None], (OWN, CW))])

    w1t = edge_W1[0:D]
    w1m = edge_W1[D:2 * D]
    w1b = edge_W1[2 * D:3 * D]
    hp, hq = _stage3(seg, cnt, st1, r1(init_g), r1(init_bt),
                     node_W1, r1(node_b1), node_W2, r1(node_b2),
                     r1(node_g), r1(node_bt), w1m, w1b)

    hps, hqd = _mk_gather2()(hp, hq, src, dst)

    x2, st5 = _stage5(edge_attr, hps, hqd, w1t, r1(edge_b1),
                      edge_W2, r1(edge_b2))
    return _stage6(x2, st5, r1(edge_g), r1(edge_bt))

# --- scband reference (transcript-rebuilt; emitter-appended) ---
"""Pipeline reference for scband-nri-block-83013127897107 (READ-ONLY COPY).

The authoritative reference and input builder live on the scoring server;
editing this copy changes nothing except your own understanding.
"""

import jax, jax.numpy as jnp
import numpy as np

N_NODES = 10000
N_EDGES = 320000
D = 128


def _mlp(x, W1, b1, W2, b2, g, bt):
    # NRI-style MLP: Linear -> ELU -> Linear -> ELU -> BatchNorm (batch statistics)
    h = jax.nn.elu(x @ W1 + b1)
    h = jax.nn.elu(h @ W2 + b2)
    mu = jnp.mean(h, axis=0, keepdims=True)
    var = jnp.var(h, axis=0, keepdims=True)
    h = (h - mu) * jax.lax.rsqrt(var + 1e-5)
    return h * g + bt


def _mk_mlp(key, fin, fhid, fout):
    k1, k2 = jax.random.split(key)
    s1 = 1.0 / np.sqrt(fin)
    s2 = 1.0 / np.sqrt(fhid)
    return (jax.random.uniform(k1, (fin, fhid), jnp.float32, -s1, s1),
            jnp.zeros((fhid,), jnp.float32),
            jax.random.uniform(k2, (fhid, fout), jnp.float32, -s2, s2),
            jnp.zeros((fout,), jnp.float32),
            jnp.ones((fout,), jnp.float32),
            jnp.zeros((fout,), jnp.float32))


def setup_inputs(seed: int = 0) -> dict:
    key = jax.random.key(seed)
    k0, k1, k2, k3, k4 = jax.random.split(key, 5)
    inp = {}
    inp['edge_attr'] = jax.random.normal(k0, (N_EDGES, D), dtype=jnp.float32)
    inp['edge_index'] = jax.random.randint(k1, (2, N_EDGES), 0, N_NODES, dtype=jnp.int32)
    for name, kk, fin in (('init', k2, D), ('node', k3, D), ('edge', k4, 3 * D)):
        W1, b1, W2, b2, g, bt = _mk_mlp(kk, fin, D, D)
        inp[name + '_W1'] = W1
        inp[name + '_b1'] = b1
        inp[name + '_W2'] = W2
        inp[name + '_b2'] = b2
        inp[name + '_g'] = g
        inp[name + '_bt'] = bt
    return inp


def reference(edge_attr, edge_index,
              init_W1, init_b1, init_W2, init_b2, init_g, init_bt,
              node_W1, node_b1, node_W2, node_b2, node_g, node_bt,
              edge_W1, edge_b1, edge_W2, edge_b2, edge_g, edge_bt):
    src = edge_index[0]
    dst = edge_index[1]
    # edata = g.edata[feat] (saved original); g.edata = init_mlp(edata)
    e = _mlp(edge_attr, init_W1, init_b1, init_W2, init_b2, init_g, init_bt)
    # update_all(copy_e, mean over mailbox) == segment-mean of edge feats by dst node
    summed = jax.ops.segment_sum(e, dst, num_segments=N_NODES)
    cnt = jax.ops.segment_sum(jnp.ones((e.shape[0], 1), jnp.float32), dst, num_segments=N_NODES)
    node = summed / jnp.maximum(cnt, 1.0)
    # g.ndata = node_mlp(g.ndata)
    h = _mlp(node, node_W1, node_b1, node_W2, node_b2, node_g, node_bt)
    # node2edge: cat([src_feat, dst_feat]); then cat([original edata, that])
    eh = jnp.concatenate([edge_attr, h[src], h[dst]], axis=-1)
    out = _mlp(eh, edge_W1, edge_b1, edge_W2, edge_b2, edge_g, edge_bt)
    return out

if __name__ == "__main__":
    import jax
    _d = setup_inputs()
    print(jax.jit(kernel)(*tuple(_d.values())))

</pallas_src>

<mosaic_0001>
#map = affine_map<(d0, d1) -> (0, 0)>
#map1 = affine_map<(d0, d1) -> (0)>
#map2 = affine_map<(d0, d1) -> (0, 0, 0)>
module attributes {stable_mosaic.version = 14 : i64} {
  func.func @_seg_scatter_body(%arg0: i32, %arg1: i32, %arg2: memref<320000x128xf32, #tpu.memory_space<hbm>>, %arg3: memref<320000xi32, #tpu.memory_space<hbm>>, %arg4: memref<328x128xf32, #tpu.memory_space<hbm>>, %arg5: memref<2x5120x128xf32, #tpu.memory_space<hbm>>, %arg6: memref<128x128xf32, #tpu.memory_space<vmem>>, %arg7: memref<128xi32, #tpu.memory_space<vmem>>, %arg8: memref<328x128xf32, #tpu.memory_space<vmem>>, %arg9: memref<5248x128xf32, #tpu.memory_space<vmem_shared>>) attributes {dimension_semantics = [#tpu.dimension_semantics<core_parallel>, #tpu.dimension_semantics<subcore_parallel>], iteration_bounds = array<i64: 2, 16>, scalar_prefetch = 0 : i64, scratch_operands = 4 : i64, tpu.core_type = #tpu.core_type<sc_vector_subcore>, window_params = [{transform_indices = #map}, {transform_indices = #map1}, {transform_indices = #map}, {transform_indices = #map2}]} {
    %mul3A = arith.constant 5120 : i32
    %mul3A_0 = arith.muli %arg0, %mul3A : i32
    "tpu.region"() ({
      %run_scoped3A = tpu.sem_alloc : memref<!tpu.dma_semaphore, #tpu.memory_space<semaphore_mem>>
      tpu.enqueue_dma source(%arg4 : memref<328x128xf32, #tpu.memory_space<hbm>>) target(%arg8 : memref<328x128xf32, #tpu.memory_space<vmem>>) target_semaphore(%run_scoped3A : memref<!tpu.dma_semaphore, #tpu.memory_space<semaphore_mem>>)
      tpu.wait_dma2 semaphore(%run_scoped3A : memref<!tpu.dma_semaphore, #tpu.memory_space<semaphore_mem>>) src(%arg4 : memref<328x128xf32, #tpu.memory_space<hbm>>) dst(%arg8 : memref<328x128xf32, #tpu.memory_space<vmem>>)
      tpu.yield
    }) : () -> ()
    %mul3A_1 = arith.constant 328 : i32
    %mul3A_2 = arith.muli %arg1, %mul3A_1 : i32
    "tpu.region"() ({
      %run_scoped3A = tpu.sem_alloc : memref<!tpu.dma_semaphore, #tpu.memory_space<semaphore_mem>>
      %dma_start3A = arith.constant 0 : i32
      %dma_start3A_20 = tpu.memref_slice %arg9[%mul3A_2, %dma_start3A] : memref<5248x128xf32, #tpu.memory_space<vmem_shared>> -> memref<328x128xf32, #tpu.memory_space<vmem_shared>>
      %dma_start3A_21 = arith.constant 0 : i32
      %dma_start3A_22 = tpu.memref_slice %arg9[%mul3A_2, %dma_start3A_21] : memref<5248x128xf32, #tpu.memory_space<vmem_shared>> -> memref<328x128xf32, #tpu.memory_space<vmem_shared>>
      tpu.enqueue_dma source(%arg8 : memref<328x128xf32, #tpu.memory_space<vmem>>) target(%dma_start3A_22 : memref<328x128xf32, #tpu.memory_space<vmem_shared>>) target_semaphore(%run_scoped3A : memref<!tpu.dma_semaphore, #tpu.memory_space<semaphore_mem>>)
      %dma_wait3A = arith.constant 0 : i32
      %dma_wait3A_23 = tpu.memref_slice %arg9[%mul3A_2, %dma_wait3A] : memref<5248x128xf32, #tpu.memory_space<vmem_shared>> -> memref<328x128xf32, #tpu.memory_space<vmem_shared>>
      %dma_wait3A_24 = arith.constant 0 : i32
      %dma_wait3A_25 = tpu.memref_slice %arg9[%mul3A_2, %dma_wait3A_24] : memref<5248x128xf32, #tpu.memory_space<vmem_shared>> -> memref<328x128xf32, #tpu.memory_space<vmem_shared>>
      tpu.wait_dma2 semaphore(%run_scoped3A : memref<!tpu.dma_semaphore, #tpu.memory_space<semaphore_mem>>) src(%arg8 : memref<328x128xf32, #tpu.memory_space<vmem>>) dst(%dma_wait3A_25 : memref<328x128xf32, #tpu.memory_space<vmem_shared>>)
      tpu.yield
    }) : () -> ()
    %barrier3A = arith.constant 0 : index
    tpu.barrier barrier_id(%barrier3A)
    %lt3A = arith.constant 4 : i32
    %lt3A_3 = arith.cmpi slt, %arg1, %lt3A : i32
    %jit3A = arith.constant 1 : i32
    %jit3A_4 = arith.constant 0 : i32
    %select_n3A = arith.select %lt3A_3, %jit3A, %jit3A_4 : i32
    %add3A = arith.constant 156 : i32
    %add3A_5 = arith.addi %add3A, %select_n3A : i32
    %while3A = arith.constant 0 : i32
    %while3A_6 = arith.constant 0 : i32
    %while3A_7 = arith.subi %add3A_5, %while3A_6 : i32
    %while3A_8 = arith.addi %while3A_6, %while3A_7 : i32
    %while3A_9 = arith.constant 1 : i32
    %while3A_10 = arith.divsi %while3A_7, %while3A_9 : i32
    %while3A_11 = arith.muli %while3A_10, %while3A_9 : i32
    %while3A_12 = arith.addi %while3A_6, %while3A_11 : i32
    %while3A_13 = arith.constant 1 : i32
    scf.for %while3A_20 = %while3A_6 to %while3A_12 step %while3A_13  : i32 {
      %mul3A_21 = arith.constant 16 : i32
      %mul3A_22 = arith.muli %while3A_20, %mul3A_21 : i32
      %add3A_23 = arith.addi %arg1, %mul3A_22 : i32
      %mul3A_24 = arith.constant 128 : i32
      %mul3A_25 = arith.muli %add3A_23, %mul3A_24 : i32
      "tpu.region"() ({
        %run_scoped3A = tpu.sem_alloc : memref<!tpu.dma_semaphore, #tpu.memory_space<semaphore_mem>>
        %dma_start3A = tpu.memref_slice %arg3[%mul3A_25] : memref<320000xi32, #tpu.memory_space<hbm>> -> memref<128xi32, #tpu.memory_space<hbm>>
        %dma_start3A_150 = tpu.memref_slice %arg3[%mul3A_25] : memref<320000xi32, #tpu.memory_space<hbm>> -> memref<128xi32, #tpu.memory_space<hbm>>
        tpu.enqueue_dma source(%dma_start3A_150 : memref<128xi32, #tpu.memory_space<hbm>>) target(%arg7 : memref<128xi32, #tpu.memory_space<vmem>>) target_semaphore(%run_scoped3A : memref<!tpu.dma_semaphore, #tpu.memory_space<semaphore_mem>>)
        %dma_wait3A = tpu.memref_slice %arg3[%mul3A_25] : memref<320000xi32, #tpu.memory_space<hbm>> -> memref<128xi32, #tpu.memory_space<hbm>>
        %dma_wait3A_151 = tpu.memref_slice %arg3[%mul3A_25] : memref<320000xi32, #tpu.memory_space<hbm>> -> memref<128xi32, #tpu.memory_space<hbm>>
        tpu.wait_dma2 semaphore(%run_scoped3A : memref<!tpu.dma_semaphore, #tpu.memory_space<semaphore_mem>>) src(%dma_wait3A_151 : memref<128xi32, #tpu.memory_space<hbm>>) dst(%arg7 : memref<128xi32, #tpu.memory_space<vmem>>)
        tpu.yield
      }) : () -> ()
      "tpu.region"() ({
        %run_scoped3A = tpu.sem_alloc : memref<!tpu.dma_semaphore, #tpu.memory_space<semaphore_mem>>
        %dma_start3A = arith.constant 0 : i32
        %dma_start3A_150 = tpu.memref_slice %arg2[%mul3A_25, %dma_start3A] : memref<320000x128xf32, #tpu.memory_space<hbm>> -> memref<128x128xf32, #tpu.memory_space<hbm>>
        %dma_start3A_151 = arith.constant 0 : i32
        %dma_start3A_152 = tpu.memref_slice %arg2[%mul3A_25, %dma_start3A_151] : memref<320000x128xf32, #tpu.memory_space<hbm>> -> memref<128x128xf32, #tpu.memory_space<hbm>>
        tpu.enqueue_dma source(%dma_start3A_152 : memref<128x128xf32, #tpu.memory_space<hbm>>) target(%arg6 : memref<128x128xf32, #tpu.memory_space<vmem>>) target_semaphore(%run_scoped3A : memref<!tpu.dma_semaphore, #tpu.memory_space<semaphore_mem>>)
        %dma_wait3A = arith.constant 0 : i32
        %dma_wait3A_153 = tpu.memref_slice %arg2[%mul3A_25, %dma_wait3A] : memref<320000x128xf32, #tpu.memory_space<hbm>> -> memref<128x128xf32, #tpu.memory_space<hbm>>
        %dma_wait3A_154 = arith.constant 0 : i32
        %dma_wait3A_155 = tpu.memref_slice %arg2[%mul3A_25, %dma_wait3A_154] : memref<320000x128xf32, #tpu.memory_space<hbm>> -> memref<128x128xf32, #tpu.memory_space<hbm>>
        tpu.wait_dma2 semaphore(%run_scoped3A : memref<!tpu.dma_semaphore, #tpu.memory_space<semaphore_mem>>) src(%dma_wait3A_155 : memref<128x128xf32, #tpu.memory_space<hbm>>) dst(%arg6 : memref<128x128xf32, #tpu.memory_space<vmem>>)
        tpu.yield
      }) : () -> ()
      %iota3A = tpu.iota {dimensions = array<i32: 0>} : vector<16xi32>
      %get3A = arith.constant 0 : index
      %get3A_26 = tpu.vector_load %arg7[%get3A] {strides = array<i32>} : memref<128xi32, #tpu.memory_space<vmem>>, vector<16xi32>,
      %get3A_27 = vector.shape_cast %get3A_26 : vector<16xi32> to vector<16xi32>
      %sub3A = vector.broadcast %mul3A_0 : i32 to vector<16xi32>
      %sub3A_28 = arith.subi %get3A_27, %sub3A : vector<16xi32>
      %ge3A = arith.constant 0 : i32
      %ge3A_29 = vector.broadcast %ge3A : i32 to vector<16xi32>
      %ge3A_30 = arith.cmpi sge, %sub3A_28, %ge3A_29 : vector<16xi32>
      %lt3A_31 = arith.constant 5120 : i32
      %lt3A_32 = vector.broadcast %lt3A_31 : i32 to vector<16xi32>
      %lt3A_33 = arith.cmpi slt, %sub3A_28, %lt3A_32 : vector<16xi32>
      %and3A = arith.andi %ge3A_30, %lt3A_33 : vector<16xi1>
      %add3A_34 = arith.constant 5120 : i32
      %add3A_35 = vector.broadcast %add3A_34 : i32 to vector<16xi32>
      %add3A_36 = arith.addi %add3A_35, %iota3A : vector<16xi32>
      %select_n3A_37 = arith.select %and3A, %sub3A_28, %add3A_36 : vector<16xi1>, vector<16xi32>
      "tpu.region"() ({
        %run_scoped3A = tpu.sem_alloc : memref<!tpu.dma_semaphore, #tpu.memory_space<semaphore_mem>>
        %dma_start3A = arith.constant 0 : i32
        %dma_start3A_150 = arith.constant 0 : i32
        %dma_start3A_151 = tpu.memref_slice %arg6[%dma_start3A, %dma_start3A_150] : memref<128x128xf32, #tpu.memory_space<vmem>> -> memref<16x128xf32, #tpu.memory_space<vmem>>
        %dma_start3A_152 = arith.constant 0 : i32
        %dma_start3A_153 = arith.constant 0 : i32
        %dma_start3A_154 = tpu.memref_slice %arg9[%dma_start3A_152, %dma_start3A_153] : memref<5248x128xf32, #tpu.memory_space<vmem_shared>> -> memref<5248x128xf32, #tpu.memory_space<vmem_shared>>
        tpu.enqueue_indirect_dma source(%dma_start3A_151 : memref<16x128xf32, #tpu.memory_space<vmem>>) target(%dma_start3A_154 : memref<5248x128xf32, #tpu.memory_space<vmem_shared>>) offsets(%select_n3A_37 : vector<16xi32>) semaphore(%run_scoped3A : memref<!tpu.dma_semaphore, #tpu.memory_space<semaphore_mem>>) {add = true}
        %dma_wait3A = arith.constant 0 : i32
        %dma_wait3A_155 = arith.constant 0 : i32
        %dma_wait3A_156 = tpu.memref_slice %arg6[%dma_wait3A, %dma_wait3A_155] : memref<128x128xf32, #tpu.memory_space<vmem>> -> memref<16x128xf32, #tpu.memory_space<vmem>>
        %dma_wait3A_157 = arith.constant 0 : i32
        %dma_wait3A_158 = arith.constant 0 : i32
        %dma_wait3A_159 = tpu.memref_slice %arg9[%dma_wait3A_157, %dma_wait3A_158] : memref<5248x128xf32, #tpu.memory_space<vmem_shared>> -> memref<5248x128xf32, #tpu.memory_space<vmem_shared>>
        tpu.wait_indirect_dma semaphore(%run_scoped3A : memref<!tpu.dma_semaphore, #tpu.memory_space<semaphore_mem>>) src(%dma_wait3A_156 : memref<16x128xf32, #tpu.memory_space<vmem>>) dst(%dma_wait3A_159 : memref<5248x128xf32, #tpu.memory_space<vmem_shared>>)
        tpu.yield
      }) : () -> ()
      %get3A_38 = arith.constant 16 : index
      %get3A_39 = tpu.vector_load %arg7[%get3A_38] {strides = array<i32>} : memref<128xi32, #tpu.memory_space<vmem>>, vector<16xi32>,
      %get3A_40 = vector.shape_cast %get3A_39 : vector<16xi32> to vector<16xi32>
      %sub3A_41 = vector.broadcast %mul3A_0 : i32 to vector<16xi32>
      %sub3A_42 = arith.subi %get3A_40, %sub3A_41 : vector<16xi32>
      %ge3A_43 = arith.constant 0 : i32
      %ge3A_44 = vector.broadcast %ge3A_43 : i32 to vector<16xi32>
      %ge3A_45 = arith.cmpi sge, %sub3A_42, %ge3A_44 : vector<16xi32>
      %lt3A_46 = arith.constant 5120 : i32
      %lt3A_47 = vector.broadcast %lt3A_46 : i32 to vector<16xi32>
      %lt3A_48 = arith.cmpi slt, %sub3A_42, %lt3A_47 : vector<16xi32>
      %and3A_49 = arith.andi %ge3A_45, %lt3A_48 : vector<16xi1>
      %add3A_50 = arith.constant 5120 : i32
      %add3A_51 = vector.broadcast %add3A_50 : i32 to vector<16xi32>
      %add3A_52 = arith.addi %add3A_51, %iota3A : vector<16xi32>
      %select_n3A_53 = arith.select %and3A_49, %sub3A_42, %add3A_52 : vector<16xi1>, vector<16xi32>
      "tpu.region"() ({
        %run_scoped3A = tpu.sem_alloc : memref<!tpu.dma_semaphore, #tpu.memory_space<semaphore_mem>>
        %dma_start3A = arith.constant 16 : i32
        %dma_start3A_150 = arith.constant 0 : i32
        %dma_start3A_151 = tpu.memref_slice %arg6[%dma_start3A, %dma_start3A_150] : memref<128x128xf32, #tpu.memory_space<vmem>> -> memref<16x128xf32, #tpu.memory_space<vmem>>
        %dma_start3A_152 = arith.constant 0 : i32
        %dma_start3A_153 = arith.constant 0 : i32
        %dma_start3A_154 = tpu.memref_slice %arg9[%dma_start3A_152, %dma_start3A_153] : memref<5248x128xf32, #tpu.memory_space<vmem_shared>> -> memref<5248x128xf32, #tpu.memory_space<vmem_shared>>
        tpu.enqueue_indirect_dma source(%dma_start3A_151 : memref<16x128xf32, #tpu.memory_space<vmem>>) target(%dma_start3A_154 : memref<5248x128xf32, #tpu.memory_space<vmem_shared>>) offsets(%select_n3A_53 : vector<16xi32>) semaphore(%run_scoped3A : memref<!tpu.dma_semaphore, #tpu.memory_space<semaphore_mem>>) {add = true}
        %dma_wait3A = arith.constant 16 : i32
        %dma_wait3A_155 = arith.constant 0 : i32
        %dma_wait3A_156 = tpu.memref_slice %arg6[%dma_wait3A, %dma_wait3A_155] : memref<128x128xf32, #tpu.memory_space<vmem>> -> memref<16x128xf32, #tpu.memory_space<vmem>>
        %dma_wait3A_157 = arith.constant 0 : i32
        %dma_wait3A_158 = arith.constant 0 : i32
        %dma_wait3A_159 = tpu.memref_slice %arg9[%dma_wait3A_157, %dma_wait3A_158] : memref<5248x128xf32, #tpu.memory_space<vmem_shared>> -> memref<5248x128xf32, #tpu.memory_space<vmem_shared>>
        tpu.wait_indirect_dma semaphore(%run_scoped3A : memref<!tpu.dma_semaphore, #tpu.memory_space<semaphore_mem>>) src(%dma_wait3A_156 : memref<16x128xf32, #tpu.memory_space<vmem>>) dst(%dma_wait3A_159 : memref<5248x128xf32, #tpu.memory_space<vmem_shared>>)
        tpu.yield
      }) : () -> ()
      %get3A_54 = arith.constant 32 : index
      %get3A_55 = tpu.vector_load %arg7[%get3A_54] {strides = array<i32>} : memref<128xi32, #tpu.memory_space<vmem>>, vector<16xi32>,
      %get3A_56 = vector.shape_cast %get3A_55 : vector<16xi32> to vector<16xi32>
      %sub3A_57 = vector.broadcast %mul3A_0 : i32 to vector<16xi32>
      %sub3A_58 = arith.subi %get3A_56, %sub3A_57 : vector<16xi32>
      %ge3A_59 = arith.constant 0 : i32
      %ge3A_60 = vector.broadcast %ge3A_59 : i32 to vector<16xi32>
      %ge3A_61 = arith.cmpi sge, %sub3A_58, %ge3A_60 : vector<16xi32>
      %lt3A_62 = arith.constant 5120 : i32
      %lt3A_63 = vector.broadcast %lt3A_62 : i32 to vector<16xi32>
      %lt3A_64 = arith.cmpi slt, %sub3A_58, %lt3A_63 : vector<16xi32>
      %and3A_65 = arith.andi %ge3A_61, %lt3A_64 : vector<16xi1>
      %add3A_66 = arith.constant 5120 : i32
      %add3A_67 = vector.broadcast %add3A_66 : i32 to vector<16xi32>
      %add3A_68 = arith.addi %add3A_67, %iota3A : vector<16xi32>
      %select_n3A_69 = arith.select %and3A_65, %sub3A_58, %add3A_68 : vector<16xi1>, vector<16xi32>
      "tpu.region"() ({
        %run_scoped3A = tpu.sem_alloc : memref<!tpu.dma_semaphore, #tpu.memory_space<semaphore_mem>>
        %dma_start3A = arith.constant 32 : i32
        %dma_start3A_150 = arith.constant 0 : i32
        %dma_start3A_151 = tpu.memref_slice %arg6[%dma_start3A, %dma_start3A_150] : memref<128x128xf32, #tpu.memory_space<vmem>> -> memref<16x128xf32, #tpu.memory_space<vmem>>
        %dma_start3A_152 = arith.constant 0 : i32
        %dma_start3A_153 = arith.constant 0 : i32
        %dma_start3A_154 = tpu.memref_slice %arg9[%dma_start3A_152, %dma_start3A_153] : memref<5248x128xf32, #tpu.memory_space<vmem_shared>> -> memref<5248x128xf32, #tpu.memory_space<vmem_shared>>
        tpu.enqueue_indirect_dma source(%dma_start3A_151 : memref<16x128xf32, #tpu.memory_space<vmem>>) target(%dma_start3A_154 : memref<5248x128xf32, #tpu.memory_space<vmem_shared>>) offsets(%select_n3A_69 : vector<16xi32>) semaphore(%run_scoped3A : memref<!tpu.dma_semaphore, #tpu.memory_space<semaphore_mem>>) {add = true}
        %dma_wait3A = arith.constant 32 : i32
        %dma_wait3A_155 = arith.constant 0 : i32
        %dma_wait3A_156 = tpu.memref_slice %arg6[%dma_wait3A, %dma_wait3A_155] : memref<128x128xf32, #tpu.memory_space<vmem>> -> memref<16x128xf32, #tpu.memory_space<vmem>>
        %dma_wait3A_157 = arith.constant 0 : i32
        %dma_wait3A_158 = arith.constant 0 : i32
        %dma_wait3A_159 = tpu.memref_slice %arg9[%dma_wait3A_157, %dma_wait3A_158] : memref<5248x128xf32, #tpu.memory_space<vmem_shared>> -> memref<5248x128xf32, #tpu.memory_space<vmem_shared>>
        tpu.wait_indirect_dma semaphore(%run_scoped3A : memref<!tpu.dma_semaphore, #tpu.memory_space<semaphore_mem>>) src(%dma_wait3A_156 : memref<16x128xf32, #tpu.memory_space<vmem>>) dst(%dma_wait3A_159 : memref<5248x128xf32, #tpu.memory_space<vmem_shared>>)
        tpu.yield
      }) : () -> ()
      %get3A_70 = arith.constant 48 : index
      %get3A_71 = tpu.vector_load %arg7[%get3A_70] {strides = array<i32>} : memref<128xi32, #tpu.memory_space<vmem>>, vector<16xi32>,
      %get3A_72 = vector.shape_cast %get3A_71 : vector<16xi32> to vector<16xi32>
      %sub3A_73 = vector.broadcast %mul3A_0 : i32 to vector<16xi32>
      %sub3A_74 = arith.subi %get3A_72, %sub3A_73 : vector<16xi32>
      %ge3A_75 = arith.constant 0 : i32
      %ge3A_76 = vector.broadcast %ge3A_75 : i32 to vector<16xi32>
      %ge3A_77 = arith.cmpi sge, %sub3A_74, %ge3A_76 : vector<16xi32>
      %lt3A_78 = arith.constant 5120 : i32
      %lt3A_79 = vector.broadcast %lt3A_78 : i32 to vector<16xi32>
      %lt3A_80 = arith.cmpi slt, %sub3A_74, %lt3A_79 : vector<16xi32>
      %and3A_81 = arith.andi %ge3A_77, %lt3A_80 : vector<16xi1>
      %add3A_82 = arith.constant 5120 : i32
      %add3A_83 = vector.broadcast %add3A_82 : i32 to vector<16xi32>
      %add3A_84 = arith.addi %add3A_83, %iota3A : vector<16xi32>
      %select_n3A_85 = arith.select %and3A_81, %sub3A_74, %add3A_84 : vector<16xi1>, vector<16xi32>
      "tpu.region"() ({
        %run_scoped3A = tpu.sem_alloc : memref<!tpu.dma_semaphore, #tpu.memory_space<semaphore_mem>>
        %dma_start3A = arith.constant 48 : i32
        %dma_start3A_150 = arith.constant 0 : i32
        %dma_start3A_151 = tpu.memref_slice %arg6[%dma_start3A, %dma_start3A_150] : memref<128x128xf32, #tpu.memory_space<vmem>> -> memref<16x128xf32, #tpu.memory_space<vmem>>
        %dma_start3A_152 = arith.constant 0 : i32
        %dma_start3A_153 = arith.constant 0 : i32
        %dma_start3A_154 = tpu.memref_slice %arg9[%dma_start3A_152, %dma_start3A_153] : memref<5248x128xf32, #tpu.memory_space<vmem_shared>> -> memref<5248x128xf32, #tpu.memory_space<vmem_shared>>
        tpu.enqueue_indirect_dma source(%dma_start3A_151 : memref<16x128xf32, #tpu.memory_space<vmem>>) target(%dma_start3A_154 : memref<5248x128xf32, #tpu.memory_space<vmem_shared>>) offsets(%select_n3A_85 : vector<16xi32>) semaphore(%run_scoped3A : memref<!tpu.dma_semaphore, #tpu.memory_space<semaphore_mem>>) {add = true}
        %dma_wait3A = arith.constant 48 : i32
        %dma_wait3A_155 = arith.constant 0 : i32
        %dma_wait3A_156 = tpu.memref_slice %arg6[%dma_wait3A, %dma_wait3A_155] : memref<128x128xf32, #tpu.memory_space<vmem>> -> memref<16x128xf32, #tpu.memory_space<vmem>>
        %dma_wait3A_157 = arith.constant 0 : i32
        %dma_wait3A_158 = arith.constant 0 : i32
        %dma_wait3A_159 = tpu.memref_slice %arg9[%dma_wait3A_157, %dma_wait3A_158] : memref<5248x128xf32, #tpu.memory_space<vmem_shared>> -> memref<5248x128xf32, #tpu.memory_space<vmem_shared>>
        tpu.wait_indirect_dma semaphore(%run_scoped3A : memref<!tpu.dma_semaphore, #tpu.memory_space<semaphore_mem>>) src(%dma_wait3A_156 : memref<16x128xf32, #tpu.memory_space<vmem>>) dst(%dma_wait3A_159 : memref<5248x128xf32, #tpu.memory_space<vmem_shared>>)
        tpu.yield
      }) : () -> ()
      %get3A_86 = arith.constant 64 : index
      %get3A_87 = tpu.vector_load %arg7[%get3A_86] {strides = array<i32>} : memref<128xi32, #tpu.memory_space<vmem>>, vector<16xi32>,
      %get3A_88 = vector.shape_cast %get3A_87 : vector<16xi32> to vector<16xi32>
      %sub3A_89 = vector.broadcast %mul3A_0 : i32 to vector<16xi32>
      %sub3A_90 = arith.subi %get3A_88, %sub3A_89 : vector<16xi32>
      %ge3A_91 = arith.constant 0 : i32
      %ge3A_92 = vector.broadcast %ge3A_91 : i32 to vector<16xi32>
      %ge3A_93 = arith.cmpi sge, %sub3A_90, %ge3A_92 : vector<16xi32>
      %lt3A_94 = arith.constant 5120 : i32
      %lt3A_95 = vector.broadcast %lt3A_94 : i32 to vector<16xi32>
      %lt3A_96 = arith.cmpi slt, %sub3A_90, %lt3A_95 : vector<16xi32>
      %and3A_97 = arith.andi %ge3A_93, %lt3A_96 : vector<16xi1>
      %add3A_98 = arith.constant 5120 : i32
      %add3A_99 = vector.broadcast %add3A_98 : i32 to vector<16xi32>
      %add3A_100 = arith.addi %add3A_99, %iota3A : vector<16xi32>
      %select_n3A_101 = arith.select %and3A_97, %sub3A_90, %add3A_100 : vector<16xi1>, vector<16xi32>
      "tpu.region"() ({
        %run_scoped3A = tpu.sem_alloc : memref<!tpu.dma_semaphore, #tpu.memory_space<semaphore_mem>>
        %dma_start3A = arith.constant 64 : i32
        %dma_start3A_150 = arith.constant 0 : i32
        %dma_start3A_151 = tpu.memref_slice %arg6[%dma_start3A, %dma_start3A_150] : memref<128x128xf32, #tpu.memory_space<vmem>> -> memref<16x128xf32, #tpu.memory_space<vmem>>
        %dma_start3A_152 = arith.constant 0 : i32
        %dma_start3A_153 = arith.constant 0 : i32
        %dma_start3A_154 = tpu.memref_slice %arg9[%dma_start3A_152, %dma_start3A_153] : memref<5248x128xf32, #tpu.memory_space<vmem_shared>> -> memref<5248x128xf32, #tpu.memory_space<vmem_shared>>
        tpu.enqueue_indirect_dma source(%dma_start3A_151 : memref<16x128xf32, #tpu.memory_space<vmem>>) target(%dma_start3A_154 : memref<5248x128xf32, #tpu.memory_space<vmem_shared>>) offsets(%select_n3A_101 : vector<16xi32>) semaphore(%run_scoped3A : memref<!tpu.dma_semaphore, #tpu.memory_space<semaphore_mem>>) {add = true}
        %dma_wait3A = arith.constant 64 : i32
        %dma_wait3A_155 = arith.constant 0 : i32
        %dma_wait3A_156 = tpu.memref_slice %arg6[%dma_wait3A, %dma_wait3A_155] : memref<128x128xf32, #tpu.memory_space<vmem>> -> memref<16x128xf32, #tpu.memory_space<vmem>>
        %dma_wait3A_157 = arith.constant 0 : i32
        %dma_wait3A_158 = arith.constant 0 : i32
        %dma_wait3A_159 = tpu.memref_slice %arg9[%dma_wait3A_157, %dma_wait3A_158] : memref<5248x128xf32, #tpu.memory_space<vmem_shared>> -> memref<5248x128xf32, #tpu.memory_space<vmem_shared>>
        tpu.wait_indirect_dma semaphore(%run_scoped3A : memref<!tpu.dma_semaphore, #tpu.memory_space<semaphore_mem>>) src(%dma_wait3A_156 : memref<16x128xf32, #tpu.memory_space<vmem>>) dst(%dma_wait3A_159 : memref<5248x128xf32, #tpu.memory_space<vmem_shared>>)
        tpu.yield
      }) : () -> ()
      %get3A_102 = arith.constant 80 : index
      %get3A_103 = tpu.vector_load %arg7[%get3A_102] {strides = array<i32>} : memref<128xi32, #tpu.memory_space<vmem>>, vector<16xi32>,
      %get3A_104 = vector.shape_cast %get3A_103 : vector<16xi32> to vector<16xi32>
      %sub3A_105 = vector.broadcast %mul3A_0 : i32 to vector<16xi32>
      %sub3A_106 = arith.subi %get3A_104, %sub3A_105 : vector<16xi32>
      %ge3A_107 = arith.constant 0 : i32
      %ge3A_108 = vector.broadcast %ge3A_107 : i32 to vector<16xi32>
      %ge3A_109 = arith.cmpi sge, %sub3A_106, %ge3A_108 : vector<16xi32>
      %lt3A_110 = arith.constant 5120 : i32
      %lt3A_111 = vector.broadcast %lt3A_110 : i32 to vector<16xi32>
      %lt3A_112 = arith.cmpi slt, %sub3A_106, %lt3A_111 : vector<16xi32>
      %and3A_113 = arith.andi %ge3A_109, %lt3A_112 : vector<16xi1>
      %add3A_114 = arith.constant 5120 : i32
      %add3A_115 = vector.broadcast %add3A_114 : i32 to vector<16xi32>
      %add3A_116 = arith.addi %add3A_115, %iota3A : vector<16xi32>
      %select_n3A_117 = arith.select %and3A_113, %sub3A_106, %add3A_116 : vector<16xi1>, vector<16xi32>
      "tpu.region"() ({
        %run_scoped3A = tpu.sem_alloc : memref<!tpu.dma_semaphore, #tpu.memory_space<semaphore_mem>>
        %dma_start3A = arith.constant 80 : i32
        %dma_start3A_150 = arith.constant 0 : i32
        %dma_start3A_151 = tpu.memref_slice %arg6[%dma_start3A, %dma_start3A_150] : memref<128x128xf32, #tpu.memory_space<vmem>> -> memref<16x128xf32, #tpu.memory_space<vmem>>
        %dma_start3A_152 = arith.constant 0 : i32
        %dma_start3A_153 = arith.constant 0 : i32
        %dma_start3A_154 = tpu.memref_slice %arg9[%dma_start3A_152, %dma_start3A_153] : memref<5248x128xf32, #tpu.memory_space<vmem_shared>> -> memref<5248x128xf32, #tpu.memory_space<vmem_shared>>
        tpu.enqueue_indirect_dma source(%dma_start3A_151 : memref<16x128xf32, #tpu.memory_space<vmem>>) target(%dma_start3A_154 : memref<5248x128xf32, #tpu.memory_space<vmem_shared>>) offsets(%select_n3A_117 : vector<16xi32>) semaphore(%run_scoped3A : memref<!tpu.dma_semaphore, #tpu.memory_space<semaphore_mem>>) {add = true}
        %dma_wait3A = arith.constant 80 : i32
        %dma_wait3A_155 = arith.constant 0 : i32
        %dma_wait3A_156 = tpu.memref_slice %arg6[%dma_wait3A, %dma_wait3A_155] : memref<128x128xf32, #tpu.memory_space<vmem>> -> memref<16x128xf32, #tpu.memory_space<vmem>>
        %dma_wait3A_157 = arith.constant 0 : i32
        %dma_wait3A_158 = arith.constant 0 : i32
        %dma_wait3A_159 = tpu.memref_slice %arg9[%dma_wait3A_157, %dma_wait3A_158] : memref<5248x128xf32, #tpu.memory_space<vmem_shared>> -> memref<5248x128xf32, #tpu.memory_space<vmem_shared>>
        tpu.wait_indirect_dma semaphore(%run_scoped3A : memref<!tpu.dma_semaphore, #tpu.memory_space<semaphore_mem>>) src(%dma_wait3A_156 : memref<16x128xf32, #tpu.memory_space<vmem>>) dst(%dma_wait3A_159 : memref<5248x128xf32, #tpu.memory_space<vmem_shared>>)
        tpu.yield
      }) : () -> ()
      %get3A_118 = arith.constant 96 : index
      %get3A_119 = tpu.vector_load %arg7[%get3A_118] {strides = array<i32>} : memref<128xi32, #tpu.memory_space<vmem>>, vector<16xi32>,
      %get3A_120 = vector.shape_cast %get3A_119 : vector<16xi32> to vector<16xi32>
      %sub3A_121 = vector.broadcast %mul3A_0 : i32 to vector<16xi32>
      %sub3A_122 = arith.subi %get3A_120, %sub3A_121 : vector<16xi32>
      %ge3A_123 = arith.constant 0 : i32
      %ge3A_124 = vector.broadcast %ge3A_123 : i32 to vector<16xi32>
      %ge3A_125 = arith.cmpi sge, %sub3A_122, %ge3A_124 : vector<16xi32>
      %lt3A_126 = arith.constant 5120 : i32
      %lt3A_127 = vector.broadcast %lt3A_126 : i32 to vector<16xi32>
      %lt3A_128 = arith.cmpi slt, %sub3A_122, %lt3A_127 : vector<16xi32>
      %and3A_129 = arith.andi %ge3A_125, %lt3A_128 : vector<16xi1>
      %add3A_130 = arith.constant 5120 : i32
      %add3A_131 = vector.broadcast %add3A_130 : i32 to vector<16xi32>
      %add3A_132 = arith.addi %add3A_131, %iota3A : vector<16xi32>
      %select_n3A_133 = arith.select %and3A_129, %sub3A_122, %add3A_132 : vector<16xi1>, vector<16xi32>
      "tpu.region"() ({
        %run_scoped3A = tpu.sem_alloc : memref<!tpu.dma_semaphore, #tpu.memory_space<semaphore_mem>>
        %dma_start3A = arith.constant 96 : i32
        %dma_start3A_150 = arith.constant 0 : i32
        %dma_start3A_151 = tpu.memref_slice %arg6[%dma_start3A, %dma_start3A_150] : memref<128x128xf32, #tpu.memory_space<vmem>> -> memref<16x128xf32, #tpu.memory_space<vmem>>
        %dma_start3A_152 = arith.constant 0 : i32
        %dma_start3A_153 = arith.constant 0 : i32
        %dma_start3A_154 = tpu.memref_slice %arg9[%dma_start3A_152, %dma_start3A_153] : memref<5248x128xf32, #tpu.memory_space<vmem_shared>> -> memref<5248x128xf32, #tpu.memory_space<vmem_shared>>
        tpu.enqueue_indirect_dma source(%dma_start3A_151 : memref<16x128xf32, #tpu.memory_space<vmem>>) target(%dma_start3A_154 : memref<5248x128xf32, #tpu.memory_space<vmem_shared>>) offsets(%select_n3A_133 : vector<16xi32>) semaphore(%run_scoped3A : memref<!tpu.dma_semaphore, #tpu.memory_space<semaphore_mem>>) {add = true}
        %dma_wait3A = arith.constant 96 : i32
        %dma_wait3A_155 = arith.constant 0 : i32
        %dma_wait3A_156 = tpu.memref_slice %arg6[%dma_wait3A, %dma_wait3A_155] : memref<128x128xf32, #tpu.memory_space<vmem>> -> memref<16x128xf32, #tpu.memory_space<vmem>>
        %dma_wait3A_157 = arith.constant 0 : i32
        %dma_wait3A_158 = arith.constant 0 : i32
        %dma_wait3A_159 = tpu.memref_slice %arg9[%dma_wait3A_157, %dma_wait3A_158] : memref<5248x128xf32, #tpu.memory_space<vmem_shared>> -> memref<5248x128xf32, #tpu.memory_space<vmem_shared>>
        tpu.wait_indirect_dma semaphore(%run_scoped3A : memref<!tpu.dma_semaphore, #tpu.memory_space<semaphore_mem>>) src(%dma_wait3A_156 : memref<16x128xf32, #tpu.memory_space<vmem>>) dst(%dma_wait3A_159 : memref<5248x128xf32, #tpu.memory_space<vmem_shared>>)
        tpu.yield
      }) : () -> ()
      %get3A_134 = arith.constant 112 : index
      %get3A_135 = tpu.vector_load %arg7[%get3A_134] {strides = array<i32>} : memref<128xi32, #tpu.memory_space<vmem>>, vector<16xi32>,
      %get3A_136 = vector.shape_cast %get3A_135 : vector<16xi32> to vector<16xi32>
      %sub3A_137 = vector.broadcast %mul3A_0 : i32 to vector<16xi32>
      %sub3A_138 = arith.subi %get3A_136, %sub3A_137 : vector<16xi32>
      %ge3A_139 = arith.constant 0 : i32
      %ge3A_140 = vector.broadcast %ge3A_139 : i32 to vector<16xi32>
      %ge3A_141 = arith.cmpi sge, %sub3A_138, %ge3A_140 : vector<16xi32>
      %lt3A_142 = arith.constant 5120 : i32
      %lt3A_143 = vector.broadcast %lt3A_142 : i32 to vector<16xi32>
      %lt3A_144 = arith.cmpi slt, %sub3A_138, %lt3A_143 : vector<16xi32>
      %and3A_145 = arith.andi %ge3A_141, %lt3A_144 : vector<16xi1>
      %add3A_146 = arith.constant 5120 : i32
      %add3A_147 = vector.broadcast %add3A_146 : i32 to vector<16xi32>
      %add3A_148 = arith.addi %add3A_147, %iota3A : vector<16xi32>
      %select_n3A_149 = arith.select %and3A_145, %sub3A_138, %add3A_148 : vector<16xi1>, vector<16xi32>
      "tpu.region"() ({
        %run_scoped3A = tpu.sem_alloc : memref<!tpu.dma_semaphore, #tpu.memory_space<semaphore_mem>>
        %dma_start3A = arith.constant 112 : i32
        %dma_start3A_150 = arith.constant 0 : i32
        %dma_start3A_151 = tpu.memref_slice %arg6[%dma_start3A, %dma_start3A_150] : memref<128x128xf32, #tpu.memory_space<vmem>> -> memref<16x128xf32, #tpu.memory_space<vmem>>
        %dma_start3A_152 = arith.constant 0 : i32
        %dma_start3A_153 = arith.constant 0 : i32
        %dma_start3A_154 = tpu.memref_slice %arg9[%dma_start3A_152, %dma_start3A_153] : memref<5248x128xf32, #tpu.memory_space<vmem_shared>> -> memref<5248x128xf32, #tpu.memory_space<vmem_shared>>
        tpu.enqueue_indirect_dma source(%dma_start3A_151 : memref<16x128xf32, #tpu.memory_space<vmem>>) target(%dma_start3A_154 : memref<5248x128xf32, #tpu.memory_space<vmem_shared>>) offsets(%select_n3A_149 : vector<16xi32>) semaphore(%run_scoped3A : memref<!tpu.dma_semaphore, #tpu.memory_space<semaphore_mem>>) {add = true}
        %dma_wait3A = arith.constant 112 : i32
        %dma_wait3A_155 = arith.constant 0 : i32
        %dma_wait3A_156 = tpu.memref_slice %arg6[%dma_wait3A, %dma_wait3A_155] : memref<128x128xf32, #tpu.memory_space<vmem>> -> memref<16x128xf32, #tpu.memory_space<vmem>>
        %dma_wait3A_157 = arith.constant 0 : i32
        %dma_wait3A_158 = arith.constant 0 : i32
        %dma_wait3A_159 = tpu.memref_slice %arg9[%dma_wait3A_157, %dma_wait3A_158] : memref<5248x128xf32, #tpu.memory_space<vmem_shared>> -> memref<5248x128xf32, #tpu.memory_space<vmem_shared>>
        tpu.wait_indirect_dma semaphore(%run_scoped3A : memref<!tpu.dma_semaphore, #tpu.memory_space<semaphore_mem>>) src(%dma_wait3A_156 : memref<16x128xf32, #tpu.memory_space<vmem>>) dst(%dma_wait3A_159 : memref<5248x128xf32, #tpu.memory_space<vmem_shared>>)
        tpu.yield
      }) : () -> ()
    }
    %while3A_14 = arith.constant 1 : i32
    scf.for %while3A_20 = %while3A_12 to %while3A_8 step %while3A_14  : i32 {
      %mul3A_21 = arith.constant 16 : i32
      %mul3A_22 = arith.muli %while3A_20, %mul3A_21 : i32
      %add3A_23 = arith.addi %arg1, %mul3A_22 : i32
      %mul3A_24 = arith.constant 128 : i32
      %mul3A_25 = arith.muli %add3A_23, %mul3A_24 : i32
      "tpu.region"() ({
        %run_scoped3A = tpu.sem_alloc : memref<!tpu.dma_semaphore, #tpu.memory_space<semaphore_mem>>
        %dma_start3A = tpu.memref_slice %arg3[%mul3A_25] : memref<320000xi32, #tpu.memory_space<hbm>> -> memref<128xi32, #tpu.memory_space<hbm>>
        %dma_start3A_150 = tpu.memref_slice %arg3[%mul3A_25] : memref<320000xi32, #tpu.memory_space<hbm>> -> memref<128xi32, #tpu.memory_space<hbm>>
        tpu.enqueue_dma source(%dma_start3A_150 : memref<128xi32, #tpu.memory_space<hbm>>) target(%arg7 : memref<128xi32, #tpu.memory_space<vmem>>) target_semaphore(%run_scoped3A : memref<!tpu.dma_semaphore, #tpu.memory_space<semaphore_mem>>)
        %dma_wait3A = tpu.memref_slice %arg3[%mul3A_25] : memref<320000xi32, #tpu.memory_space<hbm>> -> memref<128xi32, #tpu.memory_space<hbm>>
        %dma_wait3A_151 = tpu.memref_slice %arg3[%mul3A_25] : memref<320000xi32, #tpu.memory_space<hbm>> -> memref<128xi32, #tpu.memory_space<hbm>>
        tpu.wait_dma2 semaphore(%run_scoped3A : memref<!tpu.dma_semaphore, #tpu.memory_space<semaphore_mem>>) src(%dma_wait3A_151 : memref<128xi32, #tpu.memory_space<hbm>>) dst(%arg7 : memref<128xi32, #tpu.memory_space<vmem>>)
        tpu.yield
      }) : () -> ()
      "tpu.region"() ({
        %run_scoped3A = tpu.sem_alloc : memref<!tpu.dma_semaphore, #tpu.memory_space<semaphore_mem>>
        %dma_start3A = arith.constant 0 : i32
        %dma_start3A_150 = tpu.memref_slice %arg2[%mul3A_25, %dma_start3A] : memref<320000x128xf32, #tpu.memory_space<hbm>> -> memref<128x128xf32, #tpu.memory_space<hbm>>
        %dma_start3A_151 = arith.constant 0 : i32
        %dma_start3A_152 = tpu.memref_slice %arg2[%mul3A_25, %dma_start3A_151] : memref<320000x128xf32, #tpu.memory_space<hbm>> -> memref<128x128xf32, #tpu.memory_space<hbm>>
        tpu.enqueue_dma source(%dma_start3A_152 : memref<128x128xf32, #tpu.memory_space<hbm>>) target(%arg6 : memref<128x128xf32, #tpu.memory_space<vmem>>) target_semaphore(%run_scoped3A : memref<!tpu.dma_semaphore, #tpu.memory_space<semaphore_mem>>)
        %dma_wait3A = arith.constant 0 : i32
        %dma_wait3A_153 = tpu.memref_slice %arg2[%mul3A_25, %dma_wait3A] : memref<320000x128xf32, #tpu.memory_space<hbm>> -> memref<128x128xf32, #tpu.memory_space<hbm>>
        %dma_wait3A_154 = arith.constant 0 : i32
        %dma_wait3A_155 = tpu.memref_slice %arg2[%mul3A_25, %dma_wait3A_154] : memref<320000x128xf32, #tpu.memory_space<hbm>> -> memref<128x128xf32, #tpu.memory_space<hbm>>
        tpu.wait_dma2 semaphore(%run_scoped3A : memref<!tpu.dma_semaphore, #tpu.memory_space<semaphore_mem>>) src(%dma_wait3A_155 : memref<128x128xf32, #tpu.memory_space<hbm>>) dst(%arg6 : memref<128x128xf32, #tpu.memory_space<vmem>>)
        tpu.yield
      }) : () -> ()
      %iota3A = tpu.iota {dimensions = array<i32: 0>} : vector<16xi32>
      %get3A = arith.constant 0 : index
      %get3A_26 = tpu.vector_load %arg7[%get3A] {strides = array<i32>} : memref<128xi32, #tpu.memory_space<vmem>>, vector<16xi32>,
      %get3A_27 = vector.shape_cast %get3A_26 : vector<16xi32> to vector<16xi32>
      %sub3A = vector.broadcast %mul3A_0 : i32 to vector<16xi32>
      %sub3A_28 = arith.subi %get3A_27, %sub3A : vector<16xi32>
      %ge3A = arith.constant 0 : i32
      %ge3A_29 = vector.broadcast %ge3A : i32 to vector<16xi32>
      %ge3A_30 = arith.cmpi sge, %sub3A_28, %ge3A_29 : vector<16xi32>
      %lt3A_31 = arith.constant 5120 : i32
      %lt3A_32 = vector.broadcast %lt3A_31 : i32 to vector<16xi32>
      %lt3A_33 = arith.cmpi slt, %sub3A_28, %lt3A_32 : vector<16xi32>
      %and3A = arith.andi %ge3A_30, %lt3A_33 : vector<16xi1>
      %add3A_34 = arith.constant 5120 : i32
      %add3A_35 = vector.broadcast %add3A_34 : i32 to vector<16xi32>
      %add3A_36 = arith.addi %add3A_35, %iota3A : vector<16xi32>
      %select_n3A_37 = arith.select %and3A, %sub3A_28, %add3A_36 : vector<16xi1>, vector<16xi32>
      "tpu.region"() ({
        %run_scoped3A = tpu.sem_alloc : memref<!tpu.dma_semaphore, #tpu.memory_space<semaphore_mem>>
        %dma_start3A = arith.constant 0 : i32
        %dma_start3A_150 = arith.constant 0 : i32
        %dma_start3A_151 = tpu.memref_slice %arg6[%dma_start3A, %dma_start3A_150] : memref<128x128xf32, #tpu.memory_space<vmem>> -> memref<16x128xf32, #tpu.memory_space<vmem>>
        %dma_start3A_152 = arith.constant 0 : i32
        %dma_start3A_153 = arith.constant 0 : i32
        %dma_start3A_154 = tpu.memref_slice %arg9[%dma_start3A_152, %dma_start3A_153] : memref<5248x128xf32, #tpu.memory_space<vmem_shared>> -> memref<5248x128xf32, #tpu.memory_space<vmem_shared>>
        tpu.enqueue_indirect_dma source(%dma_start3A_151 : memref<16x128xf32, #tpu.memory_space<vmem>>) target(%dma_start3A_154 : memref<5248x128xf32, #tpu.memory_space<vmem_shared>>) offsets(%select_n3A_37 : vector<16xi32>) semaphore(%run_scoped3A : memref<!tpu.dma_semaphore, #tpu.memory_space<semaphore_mem>>) {add = true}
        %dma_wait3A = arith.constant 0 : i32
        %dma_wait3A_155 = arith.constant 0 : i32
        %dma_wait3A_156 = tpu.memref_slice %arg6[%dma_wait3A, %dma_wait3A_155] : memref<128x128xf32, #tpu.memory_space<vmem>> -> memref<16x128xf32, #tpu.memory_space<vmem>>
        %dma_wait3A_157 = arith.constant 0 : i32
        %dma_wait3A_158 = arith.constant 0 : i32
        %dma_wait3A_159 = tpu.memref_slice %arg9[%dma_wait3A_157, %dma_wait3A_158] : memref<5248x128xf32, #tpu.memory_space<vmem_shared>> -> memref<5248x128xf32, #tpu.memory_space<vmem_shared>>
        tpu.wait_indirect_dma semaphore(%run_scoped3A : memref<!tpu.dma_semaphore, #tpu.memory_space<semaphore_mem>>) src(%dma_wait3A_156 : memref<16x128xf32, #tpu.memory_space<vmem>>) dst(%dma_wait3A_159 : memref<5248x128xf32, #tpu.memory_space<vmem_shared>>)
        tpu.yield
      }) : () -> ()
      %get3A_38 = arith.constant 16 : index
      %get3A_39 = tpu.vector_load %arg7[%get3A_38] {strides = array<i32>} : memref<128xi32, #tpu.memory_space<vmem>>, vector<16xi32>,
      %get3A_40 = vector.shape_cast %get3A_39 : vector<16xi32> to vector<16xi32>
      %sub3A_41 = vector.broadcast %mul3A_0 : i32 to vector<16xi32>
      %sub3A_42 = arith.subi %get3A_40, %sub3A_41 : vector<16xi32>
      %ge3A_43 = arith.constant 0 : i32
      %ge3A_44 = vector.broadcast %ge3A_43 : i32 to vector<16xi32>
      %ge3A_45 = arith.cmpi sge, %sub3A_42, %ge3A_44 : vector<16xi32>
      %lt3A_46 = arith.constant 5120 : i32
      %lt3A_47 = vector.broadcast %lt3A_46 : i32 to vector<16xi32>
      %lt3A_48 = arith.cmpi slt, %sub3A_42, %lt3A_47 : vector<16xi32>
      %and3A_49 = arith.andi %ge3A_45, %lt3A_48 : vector<16xi1>
      %add3A_50 = arith.constant 5120 : i32
      %add3A_51 = vector.broadcast %add3A_50 : i32 to vector<16xi32>
      %add3A_52 = arith.addi %add3A_51, %iota3A : vector<16xi32>
      %select_n3A_53 = arith.select %and3A_49, %sub3A_42, %add3A_52 : vector<16xi1>, vector<16xi32>
      "tpu.region"() ({
        %run_scoped3A = tpu.sem_alloc : memref<!tpu.dma_semaphore, #tpu.memory_space<semaphore_mem>>
        %dma_start3A = arith.constant 16 : i32
        %dma_start3A_150 = arith.constant 0 : i32
        %dma_start3A_151 = tpu.memref_slice %arg6[%dma_start3A, %dma_start3A_150] : memref<128x128xf32, #tpu.memory_space<vmem>> -> memref<16x128xf32, #tpu.memory_space<vmem>>
        %dma_start3A_152 = arith.constant 0 : i32
        %dma_start3A_153 = arith.constant 0 : i32
        %dma_start3A_154 = tpu.memref_slice %arg9[%dma_start3A_152, %dma_start3A_153] : memref<5248x128xf32, #tpu.memory_space<vmem_shared>> -> memref<5248x128xf32, #tpu.memory_space<vmem_shared>>
        tpu.enqueue_indirect_dma source(%dma_start3A_151 : memref<16x128xf32, #tpu.memory_space<vmem>>) target(%dma_start3A_154 : memref<5248x128xf32, #tpu.memory_space<vmem_shared>>) offsets(%select_n3A_53 : vector<16xi32>) semaphore(%run_scoped3A : memref<!tpu.dma_semaphore, #tpu.memory_space<semaphore_mem>>) {add = true}
        %dma_wait3A = arith.constant 16 : i32
        %dma_wait3A_155 = arith.constant 0 : i32
        %dma_wait3A_156 = tpu.memref_slice %arg6[%dma_wait3A, %dma_wait3A_155] : memref<128x128xf32, #tpu.memory_space<vmem>> -> memref<16x128xf32, #tpu.memory_space<vmem>>
        %dma_wait3A_157 = arith.constant 0 : i32
        %dma_wait3A_158 = arith.constant 0 : i32
        %dma_wait3A_159 = tpu.memref_slice %arg9[%dma_wait3A_157, %dma_wait3A_158] : memref<5248x128xf32, #tpu.memory_space<vmem_shared>> -> memref<5248x128xf32, #tpu.memory_space<vmem_shared>>
        tpu.wait_indirect_dma semaphore(%run_scoped3A : memref<!tpu.dma_semaphore, #tpu.memory_space<semaphore_mem>>) src(%dma_wait3A_156 : memref<16x128xf32, #tpu.memory_space<vmem>>) dst(%dma_wait3A_159 : memref<5248x128xf32, #tpu.memory_space<vmem_shared>>)
        tpu.yield
      }) : () -> ()
      %get3A_54 = arith.constant 32 : index
      %get3A_55 = tpu.vector_load %arg7[%get3A_54] {strides = array<i32>} : memref<128xi32, #tpu.memory_space<vmem>>, vector<16xi32>,
      %get3A_56 = vector.shape_cast %get3A_55 : vector<16xi32> to vector<16xi32>
      %sub3A_57 = vector.broadcast %mul3A_0 : i32 to vector<16xi32>
      %sub3A_58 = arith.subi %get3A_56, %sub3A_57 : vector<16xi32>
      %ge3A_59 = arith.constant 0 : i32
      %ge3A_60 = vector.broadcast %ge3A_59 : i32 to vector<16xi32>
      %ge3A_61 = arith.cmpi sge, %sub3A_58, %ge3A_60 : vector<16xi32>
      %lt3A_62 = arith.constant 5120 : i32
      %lt3A_63 = vector.broadcast %lt3A_62 : i32 to vector<16xi32>
      %lt3A_64 = arith.cmpi slt, %sub3A_58, %lt3A_63 : vector<16xi32>
      %and3A_65 = arith.andi %ge3A_61, %lt3A_64 : vector<16xi1>
      %add3A_66 = arith.constant 5120 : i32
      %add3A_67 = vector.broadcast %add3A_66 : i32 to vector<16xi32>
      %add3A_68 = arith.addi %add3A_67, %iota3A : vector<16xi32>
      %select_n3A_69 = arith.select %and3A_65, %sub3A_58, %add3A_68 : vector<16xi1>, vector<16xi32>
      "tpu.region"() ({
        %run_scoped3A = tpu.sem_alloc : memref<!tpu.dma_semaphore, #tpu.memory_space<semaphore_mem>>
        %dma_start3A = arith.constant 32 : i32
        %dma_start3A_150 = arith.constant 0 : i32
        %dma_start3A_151 = tpu.memref_slice %arg6[%dma_start3A, %dma_start3A_150] : memref<128x128xf32, #tpu.memory_space<vmem>> -> memref<16x128xf32, #tpu.memory_space<vmem>>
        %dma_start3A_152 = arith.constant 0 : i32
        %dma_start3A_153 = arith.constant 0 : i32
        %dma_start3A_154 = tpu.memref_slice %arg9[%dma_start3A_152, %dma_start3A_153] : memref<5248x128xf32, #tpu.memory_space<vmem_shared>> -> memref<5248x128xf32, #tpu.memory_space<vmem_shared>>
        tpu.enqueue_indirect_dma source(%dma_start3A_151 : memref<16x128xf32, #tpu.memory_space<vmem>>) target(%dma_start3A_154 : memref<5248x128xf32, #tpu.memory_space<vmem_shared>>) offsets(%select_n3A_69 : vector<16xi32>) semaphore(%run_scoped3A : memref<!tpu.dma_semaphore, #tpu.memory_space<semaphore_mem>>) {add = true}
        %dma_wait3A = arith.constant 32 : i32
        %dma_wait3A_155 = arith.constant 0 : i32
        %dma_wait3A_156 = tpu.memref_slice %arg6[%dma_wait3A, %dma_wait3A_155] : memref<128x128xf32, #tpu.memory_space<vmem>> -> memref<16x128xf32, #tpu.memory_space<vmem>>
        %dma_wait3A_157 = arith.constant 0 : i32
        %dma_wait3A_158 = arith.constant 0 : i32
        %dma_wait3A_159 = tpu.memref_slice %arg9[%dma_wait3A_157, %dma_wait3A_158] : memref<5248x128xf32, #tpu.memory_space<vmem_shared>> -> memref<5248x128xf32, #tpu.memory_space<vmem_shared>>
        tpu.wait_indirect_dma semaphore(%run_scoped3A : memref<!tpu.dma_semaphore, #tpu.memory_space<semaphore_mem>>) src(%dma_wait3A_156 : memref<16x128xf32, #tpu.memory_space<vmem>>) dst(%dma_wait3A_159 : memref<5248x128xf32, #tpu.memory_space<vmem_shared>>)
        tpu.yield
      }) : () -> ()
      %get3A_70 = arith.constant 48 : index
      %get3A_71 = tpu.vector_load %arg7[%get3A_70] {strides = array<i32>} : memref<128xi32, #tpu.memory_space<vmem>>, vector<16xi32>,
      %get3A_72 = vector.shape_cast %get3A_71 : vector<16xi32> to vector<16xi32>
      %sub3A_73 = vector.broadcast %mul3A_0 : i32 to vector<16xi32>
      %sub3A_74 = arith.subi %get3A_72, %sub3A_73 : vector<16xi32>
      %ge3A_75 = arith.constant 0 : i32
      %ge3A_76 = vector.broadcast %ge3A_75 : i32 to vector<16xi32>
      %ge3A_77 = arith.cmpi sge, %sub3A_74, %ge3A_76 : vector<16xi32>
      %lt3A_78 = arith.constant 5120 : i32
      %lt3A_79 = vector.broadcast %lt3A_78 : i32 to vector<16xi32>
      %lt3A_80 = arith.cmpi slt, %sub3A_74, %lt3A_79 : vector<16xi32>
      %and3A_81 = arith.andi %ge3A_77, %lt3A_80 : vector<16xi1>
      %add3A_82 = arith.constant 5120 : i32
      %add3A_83 = vector.broadcast %add3A_82 : i32 to vector<16xi32>
      %add3A_84 = arith.addi %add3A_83, %iota3A : vector<16xi32>
      %select_n3A_85 = arith.select %and3A_81, %sub3A_74, %add3A_84 : vector<16xi1>, vector<16xi32>
      "tpu.region"() ({
        %run_scoped3A = tpu.sem_alloc : memref<!tpu.dma_semaphore, #tpu.memory_space<semaphore_mem>>
        %dma_start3A = arith.constant 48 : i32
        %dma_start3A_150 = arith.constant 0 : i32
        %dma_start3A_151 = tpu.memref_slice %arg6[%dma_start3A, %dma_start3A_150] : memref<128x128xf32, #tpu.memory_space<vmem>> -> memref<16x128xf32, #tpu.memory_space<vmem>>
        %dma_start3A_152 = arith.constant 0 : i32
        %dma_start3A_153 = arith.constant 0 : i32
        %dma_start3A_154 = tpu.memref_slice %arg9[%dma_start3A_152, %dma_start3A_153] : memref<5248x128xf32, #tpu.memory_space<vmem_shared>> -> memref<5248x128xf32, #tpu.memory_space<vmem_shared>>
        tpu.enqueue_indirect_dma source(%dma_start3A_151 : memref<16x128xf32, #tpu.memory_space<vmem>>) target(%dma_start3A_154 : memref<5248x128xf32, #tpu.memory_space<vmem_shared>>) offsets(%select_n3A_85 : vector<16xi32>) semaphore(%run_scoped3A : memref<!tpu.dma_semaphore, #tpu.memory_space<semaphore_mem>>) {add = true}
        %dma_wait3A = arith.constant 48 : i32
        %dma_wait3A_155 = arith.constant 0 : i32
        %dma_wait3A_156 = tpu.memref_slice %arg6[%dma_wait3A, %dma_wait3A_155] : memref<128x128xf32, #tpu.memory_space<vmem>> -> memref<16x128xf32, #tpu.memory_space<vmem>>
        %dma_wait3A_157 = arith.constant 0 : i32
        %dma_wait3A_158 = arith.constant 0 : i32
        %dma_wait3A_159 = tpu.memref_slice %arg9[%dma_wait3A_157, %dma_wait3A_158] : memref<5248x128xf32, #tpu.memory_space<vmem_shared>> -> memref<5248x128xf32, #tpu.memory_space<vmem_shared>>
        tpu.wait_indirect_dma semaphore(%run_scoped3A : memref<!tpu.dma_semaphore, #tpu.memory_space<semaphore_mem>>) src(%dma_wait3A_156 : memref<16x128xf32, #tpu.memory_space<vmem>>) dst(%dma_wait3A_159 : memref<5248x128xf32, #tpu.memory_space<vmem_shared>>)
        tpu.yield
      }) : () -> ()
      %get3A_86 = arith.constant 64 : index
      %get3A_87 = tpu.vector_load %arg7[%get3A_86] {strides = array<i32>} : memref<128xi32, #tpu.memory_space<vmem>>, vector<16xi32>,
      %get3A_88 = vector.shape_cast %get3A_87 : vector<16xi32> to vector<16xi32>
      %sub3A_89 = vector.broadcast %mul3A_0 : i32 to vector<16xi32>
      %sub3A_90 = arith.subi %get3A_88, %sub3A_89 : vector<16xi32>
      %ge3A_91 = arith.constant 0 : i32
      %ge3A_92 = vector.broadcast %ge3A_91 : i32 to vector<16xi32>
      %ge3A_93 = arith.cmpi sge, %sub3A_90, %ge3A_92 : vector<16xi32>
      %lt3A_94 = arith.constant 5120 : i32
      %lt3A_95 = vector.broadcast %lt3A_94 : i32 to vector<16xi32>
      %lt3A_96 = arith.cmpi slt, %sub3A_90, %lt3A_95 : vector<16xi32>
      %and3A_97 = arith.andi %ge3A_93, %lt3A_96 : vector<16xi1>
      %add3A_98 = arith.constant 5120 : i32
      %add3A_99 = vector.broadcast %add3A_98 : i32 to vector<16xi32>
      %add3A_100 = arith.addi %add3A_99, %iota3A : vector<16xi32>
      %select_n3A_101 = arith.select %and3A_97, %sub3A_90, %add3A_100 : vector<16xi1>, vector<16xi32>
      "tpu.region"() ({
        %run_scoped3A = tpu.sem_alloc : memref<!tpu.dma_semaphore, #tpu.memory_space<semaphore_mem>>
        %dma_start3A = arith.constant 64 : i32
        %dma_start3A_150 = arith.constant 0 : i32
        %dma_start3A_151 = tpu.memref_slice %arg6[%dma_start3A, %dma_start3A_150] : memref<128x128xf32, #tpu.memory_space<vmem>> -> memref<16x128xf32, #tpu.memory_space<vmem>>
        %dma_start3A_152 = arith.constant 0 : i32
        %dma_start3A_153 = arith.constant 0 : i32
        %dma_start3A_154 = tpu.memref_slice %arg9[%dma_start3A_152, %dma_start3A_153] : memref<5248x128xf32, #tpu.memory_space<vmem_shared>> -> memref<5248x128xf32, #tpu.memory_space<vmem_shared>>
        tpu.enqueue_indirect_dma source(%dma_start3A_151 : memref<16x128xf32, #tpu.memory_space<vmem>>) target(%dma_start3A_154 : memref<5248x128xf32, #tpu.memory_space<vmem_shared>>) offsets(%select_n3A_101 : vector<16xi32>) semaphore(%run_scoped3A : memref<!tpu.dma_semaphore, #tpu.memory_space<semaphore_mem>>) {add = true}
        %dma_wait3A = arith.constant 64 : i32
        %dma_wait3A_155 = arith.constant 0 : i32
        %dma_wait3A_156 = tpu.memref_slice %arg6[%dma_wait3A, %dma_wait3A_155] : memref<128x128xf32, #tpu.memory_space<vmem>> -> memref<16x128xf32, #tpu.memory_space<vmem>>
        %dma_wait3A_157 = arith.constant 0 : i32
        %dma_wait3A_158 = arith.constant 0 : i32
        %dma_wait3A_159 = tpu.memref_slice %arg9[%dma_wait3A_157, %dma_wait3A_158] : memref<5248x128xf32, #tpu.memory_space<vmem_shared>> -> memref<5248x128xf32, #tpu.memory_space<vmem_shared>>
        tpu.wait_indirect_dma semaphore(%run_scoped3A : memref<!tpu.dma_semaphore, #tpu.memory_space<semaphore_mem>>) src(%dma_wait3A_156 : memref<16x128xf32, #tpu.memory_space<vmem>>) dst(%dma_wait3A_159 : memref<5248x128xf32, #tpu.memory_space<vmem_shared>>)
        tpu.yield
      }) : () -> ()
      %get3A_102 = arith.constant 80 : index
      %get3A_103 = tpu.vector_load %arg7[%get3A_102] {strides = array<i32>} : memref<128xi32, #tpu.memory_space<vmem>>, vector<16xi32>,
      %get3A_104 = vector.shape_cast %get3A_103 : vector<16xi32> to vector<16xi32>
      %sub3A_105 = vector.broadcast %mul3A_0 : i32 to vector<16xi32>
      %sub3A_106 = arith.subi %get3A_104, %sub3A_105 : vector<16xi32>
      %ge3A_107 = arith.constant 0 : i32
      %ge3A_108 = vector.broadcast %ge3A_107 : i32 to vector<16xi32>
      %ge3A_109 = arith.cmpi sge, %sub3A_106, %ge3A_108 : vector<16xi32>
      %lt3A_110 = arith.constant 5120 : i32
      %lt3A_111 = vector.broadcast %lt3A_110 : i32 to vector<16xi32>
      %lt3A_112 = arith.cmpi slt, %sub3A_106, %lt3A_111 : vector<16xi32>
      %and3A_113 = arith.andi %ge3A_109, %lt3A_112 : vector<16xi1>
      %add3A_114 = arith.constant 5120 : i32
      %add3A_115 = vector.broadcast %add3A_114 : i32 to vector<16xi32>
      %add3A_116 = arith.addi %add3A_115, %iota3A : vector<16xi32>
      %select_n3A_117 = arith.select %and3A_113, %sub3A_106, %add3A_116 : vector<16xi1>, vector<16xi32>
      "tpu.region"() ({
        %run_scoped3A = tpu.sem_alloc : memref<!tpu.dma_semaphore, #tpu.memory_space<semaphore_mem>>
        %dma_start3A = arith.constant 80 : i32
        %dma_start3A_150 = arith.constant 0 : i32
        %dma_start3A_151 = tpu.memref_slice %arg6[%dma_start3A, %dma_start3A_150] : memref<128x128xf32, #tpu.memory_space<vmem>> -> memref<16x128xf32, #tpu.memory_space<vmem>>
        %dma_start3A_152 = arith.constant 0 : i32
        %dma_start3A_153 = arith.constant 0 : i32
        %dma_start3A_154 = tpu.memref_slice %arg9[%dma_start3A_152, %dma_start3A_153] : memref<5248x128xf32, #tpu.memory_space<vmem_shared>> -> memref<5248x128xf32, #tpu.memory_space<vmem_shared>>
        tpu.enqueue_indirect_dma source(%dma_start3A_151 : memref<16x128xf32, #tpu.memory_space<vmem>>) target(%dma_start3A_154 : memref<5248x128xf32, #tpu.memory_space<vmem_shared>>) offsets(%select_n3A_117 : vector<16xi32>) semaphore(%run_scoped3A : memref<!tpu.dma_semaphore, #tpu.memory_space<semaphore_mem>>) {add = true}
        %dma_wait3A = arith.constant 80 : i32
        %dma_wait3A_155 = arith.constant 0 : i32
        %dma_wait3A_156 = tpu.memref_slice %arg6[%dma_wait3A, %dma_wait3A_155] : memref<128x128xf32, #tpu.memory_space<vmem>> -> memref<16x128xf32, #tpu.memory_space<vmem>>
        %dma_wait3A_157 = arith.constant 0 : i32
        %dma_wait3A_158 = arith.constant 0 : i32
        %dma_wait3A_159 = tpu.memref_slice %arg9[%dma_wait3A_157, %dma_wait3A_158] : memref<5248x128xf32, #tpu.memory_space<vmem_shared>> -> memref<5248x128xf32, #tpu.memory_space<vmem_shared>>
        tpu.wait_indirect_dma semaphore(%run_scoped3A : memref<!tpu.dma_semaphore, #tpu.memory_space<semaphore_mem>>) src(%dma_wait3A_156 : memref<16x128xf32, #tpu.memory_space<vmem>>) dst(%dma_wait3A_159 : memref<5248x128xf32, #tpu.memory_space<vmem_shared>>)
        tpu.yield
      }) : () -> ()
      %get3A_118 = arith.constant 96 : index
      %get3A_119 = tpu.vector_load %arg7[%get3A_118] {strides = array<i32>} : memref<128xi32, #tpu.memory_space<vmem>>, vector<16xi32>,
      %get3A_120 = vector.shape_cast %get3A_119 : vector<16xi32> to vector<16xi32>
      %sub3A_121 = vector.broadcast %mul3A_0 : i32 to vector<16xi32>
      %sub3A_122 = arith.subi %get3A_120, %sub3A_121 : vector<16xi32>
      %ge3A_123 = arith.constant 0 : i32
      %ge3A_124 = vector.broadcast %ge3A_123 : i32 to vector<16xi32>
      %ge3A_125 = arith.cmpi sge, %sub3A_122, %ge3A_124 : vector<16xi32>
      %lt3A_126 = arith.constant 5120 : i32
      %lt3A_127 = vector.broadcast %lt3A_126 : i32 to vector<16xi32>
      %lt3A_128 = arith.cmpi slt, %sub3A_122, %lt3A_127 : vector<16xi32>
      %and3A_129 = arith.andi %ge3A_125, %lt3A_128 : vector<16xi1>
      %add3A_130 = arith.constant 5120 : i32
      %add3A_131 = vector.broadcast %add3A_130 : i32 to vector<16xi32>
      %add3A_132 = arith.addi %add3A_131, %iota3A : vector<16xi32>
      %select_n3A_133 = arith.select %and3A_129, %sub3A_122, %add3A_132 : vector<16xi1>, vector<16xi32>
      "tpu.region"() ({
        %run_scoped3A = tpu.sem_alloc : memref<!tpu.dma_semaphore, #tpu.memory_space<semaphore_mem>>
        %dma_start3A = arith.constant 96 : i32
        %dma_start3A_150 = arith.constant 0 : i32
        %dma_start3A_151 = tpu.memref_slice %arg6[%dma_start3A, %dma_start3A_150] : memref<128x128xf32, #tpu.memory_space<vmem>> -> memref<16x128xf32, #tpu.memory_space<vmem>>
        %dma_start3A_152 = arith.constant 0 : i32
        %dma_start3A_153 = arith.constant 0 : i32
        %dma_start3A_154 = tpu.memref_slice %arg9[%dma_start3A_152, %dma_start3A_153] : memref<5248x128xf32, #tpu.memory_space<vmem_shared>> -> memref<5248x128xf32, #tpu.memory_space<vmem_shared>>
        tpu.enqueue_indirect_dma source(%dma_start3A_151 : memref<16x128xf32, #tpu.memory_space<vmem>>) target(%dma_start3A_154 : memref<5248x128xf32, #tpu.memory_space<vmem_shared>>) offsets(%select_n3A_133 : vector<16xi32>) semaphore(%run_scoped3A : memref<!tpu.dma_semaphore, #tpu.memory_space<semaphore_mem>>) {add = true}
        %dma_wait3A = arith.constant 96 : i32
        %dma_wait3A_155 = arith.constant 0 : i32
        %dma_wait3A_156 = tpu.memref_slice %arg6[%dma_wait3A, %dma_wait3A_155] : memref<128x128xf32, #tpu.memory_space<vmem>> -> memref<16x128xf32, #tpu.memory_space<vmem>>
        %dma_wait3A_157 = arith.constant 0 : i32
        %dma_wait3A_158 = arith.constant 0 : i32
        %dma_wait3A_159 = tpu.memref_slice %arg9[%dma_wait3A_157, %dma_wait3A_158] : memref<5248x128xf32, #tpu.memory_space<vmem_shared>> -> memref<5248x128xf32, #tpu.memory_space<vmem_shared>>
        tpu.wait_indirect_dma semaphore(%run_scoped3A : memref<!tpu.dma_semaphore, #tpu.memory_space<semaphore_mem>>) src(%dma_wait3A_156 : memref<16x128xf32, #tpu.memory_space<vmem>>) dst(%dma_wait3A_159 : memref<5248x128xf32, #tpu.memory_space<vmem_shared>>)
        tpu.yield
      }) : () -> ()
      %get3A_134 = arith.constant 112 : index
      %get3A_135 = tpu.vector_load %arg7[%get3A_134] {strides = array<i32>} : memref<128xi32, #tpu.memory_space<vmem>>, vector<16xi32>,
      %get3A_136 = vector.shape_cast %get3A_135 : vector<16xi32> to vector<16xi32>
      %sub3A_137 = vector.broadcast %mul3A_0 : i32 to vector<16xi32>
      %sub3A_138 = arith.subi %get3A_136, %sub3A_137 : vector<16xi32>
      %ge3A_139 = arith.constant 0 : i32
      %ge3A_140 = vector.broadcast %ge3A_139 : i32 to vector<16xi32>
      %ge3A_141 = arith.cmpi sge, %sub3A_138, %ge3A_140 : vector<16xi32>
      %lt3A_142 = arith.constant 5120 : i32
      %lt3A_143 = vector.broadcast %lt3A_142 : i32 to vector<16xi32>
      %lt3A_144 = arith.cmpi slt, %sub3A_138, %lt3A_143 : vector<16xi32>
      %and3A_145 = arith.andi %ge3A_141, %lt3A_144 : vector<16xi1>
      %add3A_146 = arith.constant 5120 : i32
      %add3A_147 = vector.broadcast %add3A_146 : i32 to vector<16xi32>
      %add3A_148 = arith.addi %add3A_147, %iota3A : vector<16xi32>
      %select_n3A_149 = arith.select %and3A_145, %sub3A_138, %add3A_148 : vector<16xi1>, vector<16xi32>
      "tpu.region"() ({
        %run_scoped3A = tpu.sem_alloc : memref<!tpu.dma_semaphore, #tpu.memory_space<semaphore_mem>>
        %dma_start3A = arith.constant 112 : i32
        %dma_start3A_150 = arith.constant 0 : i32
        %dma_start3A_151 = tpu.memref_slice %arg6[%dma_start3A, %dma_start3A_150] : memref<128x128xf32, #tpu.memory_space<vmem>> -> memref<16x128xf32, #tpu.memory_space<vmem>>
        %dma_start3A_152 = arith.constant 0 : i32
        %dma_start3A_153 = arith.constant 0 : i32
        %dma_start3A_154 = tpu.memref_slice %arg9[%dma_start3A_152, %dma_start3A_153] : memref<5248x128xf32, #tpu.memory_space<vmem_shared>> -> memref<5248x128xf32, #tpu.memory_space<vmem_shared>>
        tpu.enqueue_indirect_dma source(%dma_start3A_151 : memref<16x128xf32, #tpu.memory_space<vmem>>) target(%dma_start3A_154 : memref<5248x128xf32, #tpu.memory_space<vmem_shared>>) offsets(%select_n3A_149 : vector<16xi32>) semaphore(%run_scoped3A : memref<!tpu.dma_semaphore, #tpu.memory_space<semaphore_mem>>) {add = true}
        %dma_wait3A = arith.constant 112 : i32
        %dma_wait3A_155 = arith.constant 0 : i32
        %dma_wait3A_156 = tpu.memref_slice %arg6[%dma_wait3A, %dma_wait3A_155] : memref<128x128xf32, #tpu.memory_space<vmem>> -> memref<16x128xf32, #tpu.memory_space<vmem>>
        %dma_wait3A_157 = arith.constant 0 : i32
        %dma_wait3A_158 = arith.constant 0 : i32
        %dma_wait3A_159 = tpu.memref_slice %arg9[%dma_wait3A_157, %dma_wait3A_158] : memref<5248x128xf32, #tpu.memory_space<vmem_shared>> -> memref<5248x128xf32, #tpu.memory_space<vmem_shared>>
        tpu.wait_indirect_dma semaphore(%run_scoped3A : memref<!tpu.dma_semaphore, #tpu.memory_space<semaphore_mem>>) src(%dma_wait3A_156 : memref<16x128xf32, #tpu.memory_space<vmem>>) dst(%dma_wait3A_159 : memref<5248x128xf32, #tpu.memory_space<vmem_shared>>)
        tpu.yield
      }) : () -> ()
    }
    %barrier3A_15 = arith.constant 0 : index
    tpu.barrier barrier_id(%barrier3A_15)
    %mul3A_16 = arith.constant 320 : i32
    %mul3A_17 = arith.muli %arg1, %mul3A_16 : i32
    "tpu.region"() ({
      %run_scoped3A = tpu.sem_alloc : memref<!tpu.dma_semaphore, #tpu.memory_space<semaphore_mem>>
      %dma_start3A = arith.constant 0 : i32
      %dma_start3A_20 = arith.constant 0 : i32
      %dma_start3A_21 = tpu.memref_slice %arg8[%dma_start3A, %dma_start3A_20] : memref<328x128xf32, #tpu.memory_space<vmem>> -> memref<320x128xf32, #tpu.memory_space<vmem>>
      %dma_start3A_22 = arith.constant 0 : i32
      %dma_start3A_23 = tpu.memref_slice %arg9[%mul3A_17, %dma_start3A_22] : memref<5248x128xf32, #tpu.memory_space<vmem_shared>> -> memref<320x128xf32, #tpu.memory_space<vmem_shared>>
      %dma_start3A_24 = arith.constant 0 : i32
      %dma_start3A_25 = arith.constant 0 : i32
      %dma_start3A_26 = tpu.memref_slice %arg8[%dma_start3A_24, %dma_start3A_25] : memref<328x128xf32, #tpu.memory_space<vmem>> -> memref<320x128xf32, #tpu.memory_space<vmem>>
      %dma_start3A_27 = arith.constant 0 : i32
      %dma_start3A_28 = tpu.memref_slice %arg9[%mul3A_17, %dma_start3A_27] : memref<5248x128xf32, #tpu.memory_space<vmem_shared>> -> memref<320x128xf32, #tpu.memory_space<vmem_shared>>
      tpu.enqueue_dma source(%dma_start3A_28 : memref<320x128xf32, #tpu.memory_space<vmem_shared>>) target(%dma_start3A_26 : memref<320x128xf32, #tpu.memory_space<vmem>>) target_semaphore(%run_scoped3A : memref<!tpu.dma_semaphore, #tpu.memory_space<semaphore_mem>>)
      %dma_wait3A = arith.constant 0 : i32
      %dma_wait3A_29 = arith.constant 0 : i32
      %dma_wait3A_30 = tpu.memref_slice %arg8[%dma_wait3A, %dma_wait3A_29] : memref<328x128xf32, #tpu.memory_space<vmem>> -> memref<320x128xf32, #tpu.memory_space<vmem>>
      %dma_wait3A_31 = arith.constant 0 : i32
      %dma_wait3A_32 = tpu.memref_slice %arg9[%mul3A_17, %dma_wait3A_31] : memref<5248x128xf32, #tpu.memory_space<vmem_shared>> -> memref<320x128xf32, #tpu.memory_space<vmem_shared>>
      %dma_wait3A_33 = arith.constant 0 : i32
      %dma_wait3A_34 = arith.constant 0 : i32
      %dma_wait3A_35 = tpu.memref_slice %arg8[%dma_wait3A_33, %dma_wait3A_34] : memref<328x128xf32, #tpu.memory_space<vmem>> -> memref<320x128xf32, #tpu.memory_space<vmem>>
      %dma_wait3A_36 = arith.constant 0 : i32
      %dma_wait3A_37 = tpu.memref_slice %arg9[%mul3A_17, %dma_wait3A_36] : memref<5248x128xf32, #tpu.memory_space<vmem_shared>> -> memref<320x128xf32, #tpu.memory_space<vmem_shared>>
      tpu.wait_dma2 semaphore(%run_scoped3A : memref<!tpu.dma_semaphore, #tpu.memory_space<semaphore_mem>>) src(%dma_wait3A_37 : memref<320x128xf32, #tpu.memory_space<vmem_shared>>) dst(%dma_wait3A_35 : memref<320x128xf32, #tpu.memory_space<vmem>>)
      tpu.yield
    }) : () -> ()
    %mul3A_18 = arith.constant 320 : i32
    %mul3A_19 = arith.muli %arg1, %mul3A_18 : i32
    "tpu.region"() ({
      %run_scoped3A = tpu.sem_alloc : memref<!tpu.dma_semaphore, #tpu.memory_space<semaphore_mem>>
      %dma_start3A = arith.constant 0 : i32
      %dma_start3A_20 = arith.constant 0 : i32
      %dma_start3A_21 = tpu.memref_slice %arg8[%dma_start3A, %dma_start3A_20] : memref<328x128xf32, #tpu.memory_space<vmem>> -> memref<320x128xf32, #tpu.memory_space<vmem>>
      %dma_start3A_22 = arith.constant 0 : i32
      %dma_start3A_23 = tpu.memref_slice %arg5[%arg0, %mul3A_19, %dma_start3A_22] : memref<2x5120x128xf32, #tpu.memory_space<hbm>> -> memref<1x320x128xf32, #tpu.memory_space<hbm>>
      %dma_start3A_24 = tpu.memref_squeeze %dma_start3A_23 : memref<1x320x128xf32, #tpu.memory_space<hbm>> -> memref<320x128xf32, #tpu.memory_space<hbm>>
      %dma_start3A_25 = arith.constant 0 : i32
      %dma_start3A_26 = tpu.memref_slice %arg5[%arg0, %mul3A_19, %dma_start3A_25] : memref<2x5120x128xf32, #tpu.memory_space<hbm>> -> memref<1x320x128xf32, #tpu.memory_space<hbm>>
      %dma_start3A_27 = tpu.memref_squeeze %dma_start3A_26 : memref<1x320x128xf32, #tpu.memory_space<hbm>> -> memref<320x128xf32, #tpu.memory_space<hbm>>
      %dma_start3A_28 = arith.constant 0 : i32
      %dma_start3A_29 = arith.constant 0 : i32
      %dma_start3A_30 = tpu.memref_slice %arg8[%dma_start3A_28, %dma_start3A_29] : memref<328x128xf32, #tpu.memory_space<vmem>> -> memref<320x128xf32, #tpu.memory_space<vmem>>
      tpu.enqueue_dma source(%dma_start3A_30 : memref<320x128xf32, #tpu.memory_space<vmem>>) target(%dma_start3A_27 : memref<320x128xf32, #tpu.memory_space<hbm>>) target_semaphore(%run_scoped3A : memref<!tpu.dma_semaphore, #tpu.memory_space<semaphore_mem>>)
      %dma_wait3A = arith.constant 0 : i32
      %dma_wait3A_31 = arith.constant 0 : i32
      %dma_wait3A_32 = tpu.memref_slice %arg8[%dma_wait3A, %dma_wait3A_31] : memref<328x128xf32, #tpu.memory_space<vmem>> -> memref<320x128xf32, #tpu.memory_space<vmem>>
      %dma_wait3A_33 = arith.constant 0 : i32
      %dma_wait3A_34 = tpu.memref_slice %arg5[%arg0, %mul3A_19, %dma_wait3A_33] : memref<2x5120x128xf32, #tpu.memory_space<hbm>> -> memref<1x320x128xf32, #tpu.memory_space<hbm>>
      %dma_wait3A_35 = tpu.memref_squeeze %dma_wait3A_34 : memref<1x320x128xf32, #tpu.memory_space<hbm>> -> memref<320x128xf32, #tpu.memory_space<hbm>>
      %dma_wait3A_36 = arith.constant 0 : i32
      %dma_wait3A_37 = tpu.memref_slice %arg5[%arg0, %mul3A_19, %dma_wait3A_36] : memref<2x5120x128xf32, #tpu.memory_space<hbm>> -> memref<1x320x128xf32, #tpu.memory_space<hbm>>
      %dma_wait3A_38 = tpu.memref_squeeze %dma_wait3A_37 : memref<1x320x128xf32, #tpu.memory_space<hbm>> -> memref<320x128xf32, #tpu.memory_space<hbm>>
      %dma_wait3A_39 = arith.constant 0 : i32
      %dma_wait3A_40 = arith.constant 0 : i32
      %dma_wait3A_41 = tpu.memref_slice %arg8[%dma_wait3A_39, %dma_wait3A_40] : memref<328x128xf32, #tpu.memory_space<vmem>> -> memref<320x128xf32, #tpu.memory_space<vmem>>
      tpu.wait_dma2 semaphore(%run_scoped3A : memref<!tpu.dma_semaphore, #tpu.memory_space<semaphore_mem>>) src(%dma_wait3A_41 : memref<320x128xf32, #tpu.memory_space<vmem>>) dst(%dma_wait3A_38 : memref<320x128xf32, #tpu.memory_space<hbm>>)
      tpu.yield
    }) : () -> ()
    return
  }
}

#map = affine_map<(d0, d1) -> (0, 0)>
#map1 = affine_map<(d0, d1) -> (0)>
module attributes {stable_mosaic.version = 14 : i64} {
  func.func @_gather2_body(%arg0: i32, %arg1: i32, %arg2: memref<10000x128xf32, #tpu.memory_space<hbm>>, %arg3: memref<10000x128xf32, #tpu.memory_space<hbm>>, %arg4: memref<320000xi32, #tpu.memory_space<hbm>>, %arg5: memref<320000xi32, #tpu.memory_space<hbm>>, %arg6: memref<320000x128xf32, #tpu.memory_space<hbm>>, %arg7: memref<320000x128xf32, #tpu.memory_space<hbm>>, %arg8: memref<80xi32, #tpu.memory_space<vmem>>, %arg9: memref<80x128xf32, #tpu.memory_space<vmem>>, %arg10: memref<80xi32, #tpu.memory_space<vmem>>, %arg11: memref<80x128xf32, #tpu.memory_space<vmem>>, %arg12: memref<!tpu.dma_semaphore, #tpu.memory_space<semaphore_mem>>, %arg13: memref<!tpu.dma_semaphore, #tpu.memory_space<semaphore_mem>>) attributes {dimension_semantics = [#tpu.dimension_semantics<core_parallel>, #tpu.dimension_semantics<subcore_parallel>], iteration_bounds = array<i64: 2, 16>, scalar_prefetch = 0 : i64, scratch_operands = 6 : i64, tpu.core_type = #tpu.core_type<sc_vector_subcore>, window_params = [{transform_indices = #map}, {transform_indices = #map}, {transform_indices = #map1}, {transform_indices = #map1}, {transform_indices = #map}, {transform_indices = #map}]} {
    %mul3A = arith.constant 2 : i32
    %mul3A_0 = arith.muli %arg1, %mul3A : i32
    %add3A = arith.addi %mul3A_0, %arg0 : i32
    %mul3A_1 = arith.constant 10000 : i32
    %mul3A_2 = arith.muli %add3A, %mul3A_1 : i32
    %scan3A = arith.constant 0 : i32
    %scan3A_3 = arith.constant 0 : i32
    %scan3A_4 = arith.constant 125 : i32
    %scan3A_5 = arith.addi %scan3A_3, %scan3A_4 : i32
    %scan3A_6 = arith.constant 1 : i32
    scf.for %scan3A_8 = %scan3A_3 to %scan3A_5 step %scan3A_6  : i32 {
      %mul3A_9 = arith.constant 80 : i32
      %mul3A_10 = arith.muli %scan3A_8, %mul3A_9 : i32
      %add3A_11 = arith.addi %mul3A_2, %mul3A_10 : i32
      "tpu.region"() ({
        %run_scoped3A = tpu.sem_alloc : memref<!tpu.dma_semaphore, #tpu.memory_space<semaphore_mem>>
        %dma_start3A_22 = tpu.memref_slice %arg4[%add3A_11] : memref<320000xi32, #tpu.memory_space<hbm>> -> memref<80xi32, #tpu.memory_space<hbm>>
        %dma_start3A_23 = tpu.memref_slice %arg4[%add3A_11] : memref<320000xi32, #tpu.memory_space<hbm>> -> memref<80xi32, #tpu.memory_space<hbm>>
        tpu.enqueue_dma source(%dma_start3A_23 : memref<80xi32, #tpu.memory_space<hbm>>) target(%arg8 : memref<80xi32, #tpu.memory_space<vmem>>) target_semaphore(%run_scoped3A : memref<!tpu.dma_semaphore, #tpu.memory_space<semaphore_mem>>)
        %dma_wait3A_24 = tpu.memref_slice %arg4[%add3A_11] : memref<320000xi32, #tpu.memory_space<hbm>> -> memref<80xi32, #tpu.memory_space<hbm>>
        %dma_wait3A_25 = tpu.memref_slice %arg4[%add3A_11] : memref<320000xi32, #tpu.memory_space<hbm>> -> memref<80xi32, #tpu.memory_space<hbm>>
        tpu.wait_dma2 semaphore(%run_scoped3A : memref<!tpu.dma_semaphore, #tpu.memory_space<semaphore_mem>>) src(%dma_wait3A_25 : memref<80xi32, #tpu.memory_space<hbm>>) dst(%arg8 : memref<80xi32, #tpu.memory_space<vmem>>)
        tpu.yield
      }) : () -> ()
      "tpu.region"() ({
        %run_scoped3A = tpu.sem_alloc : memref<!tpu.dma_semaphore, #tpu.memory_space<semaphore_mem>>
        %dma_start3A_22 = tpu.memref_slice %arg5[%add3A_11] : memref<320000xi32, #tpu.memory_space<hbm>> -> memref<80xi32, #tpu.memory_space<hbm>>
        %dma_start3A_23 = tpu.memref_slice %arg5[%add3A_11] : memref<320000xi32, #tpu.memory_space<hbm>> -> memref<80xi32, #tpu.memory_space<hbm>>
        tpu.enqueue_dma source(%dma_start3A_23 : memref<80xi32, #tpu.memory_space<hbm>>) target(%arg10 : memref<80xi32, #tpu.memory_space<vmem>>) target_semaphore(%run_scoped3A : memref<!tpu.dma_semaphore, #tpu.memory_space<semaphore_mem>>)
        %dma_wait3A_24 = tpu.memref_slice %arg5[%add3A_11] : memref<320000xi32, #tpu.memory_space<hbm>> -> memref<80xi32, #tpu.memory_space<hbm>>
        %dma_wait3A_25 = tpu.memref_slice %arg5[%add3A_11] : memref<320000xi32, #tpu.memory_space<hbm>> -> memref<80xi32, #tpu.memory_space<hbm>>
        tpu.wait_dma2 semaphore(%run_scoped3A : memref<!tpu.dma_semaphore, #tpu.memory_space<semaphore_mem>>) src(%dma_wait3A_25 : memref<80xi32, #tpu.memory_space<hbm>>) dst(%arg10 : memref<80xi32, #tpu.memory_space<vmem>>)
        tpu.yield
      }) : () -> ()
      %dma_start3A = arith.constant 0 : i32
      %dma_start3A_12 = arith.constant 0 : i32
      %dma_start3A_13 = tpu.memref_slice %arg2[%dma_start3A, %dma_start3A_12] : memref<10000x128xf32, #tpu.memory_space<hbm>> -> memref<10000x128xf32, #tpu.memory_space<hbm>>
      tpu.enqueue_indirect_dma source(%dma_start3A_13 : memref<10000x128xf32, #tpu.memory_space<hbm>>) target(%arg9 : memref<80x128xf32, #tpu.memory_space<vmem>>) offsets(%arg8 : memref<80xi32, #tpu.memory_space<vmem>>) semaphore(%arg12 : memref<!tpu.dma_semaphore, #tpu.memory_space<semaphore_mem>>)
      %dma_start3A_14 = arith.constant 0 : i32
      %dma_start3A_15 = arith.constant 0 : i32
      %dma_start3A_16 = tpu.memref_slice %arg3[%dma_start3A_14, %dma_start3A_15] : memref<10000x128xf32, #tpu.memory_space<hbm>> -> memref<10000x128xf32, #tpu.memory_space<hbm>>
      tpu.enqueue_indirect_dma source(%dma_start3A_16 : memref<10000x128xf32, #tpu.memory_space<hbm>>) target(%arg11 : memref<80x128xf32, #tpu.memory_space<vmem>>) offsets(%arg10 : memref<80xi32, #tpu.memory_space<vmem>>) semaphore(%arg13 : memref<!tpu.dma_semaphore, #tpu.memory_space<semaphore_mem>>)
      %dma_wait3A = arith.constant 0 : i32
      %dma_wait3A_17 = arith.constant 0 : i32
      %dma_wait3A_18 = tpu.memref_slice %arg2[%dma_wait3A, %dma_wait3A_17] : memref<10000x128xf32, #tpu.memory_space<hbm>> -> memref<10000x128xf32, #tpu.memory_space<hbm>>
      tpu.wait_indirect_dma semaphore(%arg12 : memref<!tpu.dma_semaphore, #tpu.memory_space<semaphore_mem>>) src(%dma_wait3A_18 : memref<10000x128xf32, #tpu.memory_space<hbm>>) dst(%arg9 : memref<80x128xf32, #tpu.memory_space<vmem>>)
      %dma_wait3A_19 = arith.constant 0 : i32
      %dma_wait3A_20 = arith.constant 0 : i32
      %dma_wait3A_21 = tpu.memref_slice %arg3[%dma_wait3A_19, %dma_wait3A_20] : memref<10000x128xf32, #tpu.memory_space<hbm>> -> memref<10000x128xf32, #tpu.memory_space<hbm>>
      tpu.wait_indirect_dma semaphore(%arg13 : memref<!tpu.dma_semaphore, #tpu.memory_space<semaphore_mem>>) src(%dma_wait3A_21 : memref<10000x128xf32, #tpu.memory_space<hbm>>) dst(%arg11 : memref<80x128xf32, #tpu.memory_space<vmem>>)
      "tpu.region"() ({
        %run_scoped3A = tpu.sem_alloc : memref<!tpu.dma_semaphore, #tpu.memory_space<semaphore_mem>>
        %dma_start3A_22 = arith.constant 0 : i32
        %dma_start3A_23 = tpu.memref_slice %arg6[%add3A_11, %dma_start3A_22] : memref<320000x128xf32, #tpu.memory_space<hbm>> -> memref<80x128xf32, #tpu.memory_space<hbm>>
        %dma_start3A_24 = arith.constant 0 : i32
        %dma_start3A_25 = tpu.memref_slice %arg6[%add3A_11, %dma_start3A_24] : memref<320000x128xf32, #tpu.memory_space<hbm>> -> memref<80x128xf32, #tpu.memory_space<hbm>>
        tpu.enqueue_dma source(%arg9 : memref<80x128xf32, #tpu.memory_space<vmem>>) target(%dma_start3A_25 : memref<80x128xf32, #tpu.memory_space<hbm>>) target_semaphore(%run_scoped3A : memref<!tpu.dma_semaphore, #tpu.memory_space<semaphore_mem>>)
        %dma_wait3A_26 = arith.constant 0 : i32
        %dma_wait3A_27 = tpu.memref_slice %arg6[%add3A_11, %dma_wait3A_26] : memref<320000x128xf32, #tpu.memory_space<hbm>> -> memref<80x128xf32, #tpu.memory_space<hbm>>
        %dma_wait3A_28 = arith.constant 0 : i32
        %dma_wait3A_29 = tpu.memref_slice %arg6[%add3A_11, %dma_wait3A_28] : memref<320000x128xf32, #tpu.memory_space<hbm>> -> memref<80x128xf32, #tpu.memory_space<hbm>>
        tpu.wait_dma2 semaphore(%run_scoped3A : memref<!tpu.dma_semaphore, #tpu.memory_space<semaphore_mem>>) src(%arg9 : memref<80x128xf32, #tpu.memory_space<vmem>>) dst(%dma_wait3A_29 : memref<80x128xf32, #tpu.memory_space<hbm>>)
        tpu.yield
      }) : () -> ()
      "tpu.region"() ({
        %run_scoped3A = tpu.sem_alloc : memref<!tpu.dma_semaphore, #tpu.memory_space<semaphore_mem>>
        %dma_start3A_22 = arith.constant 0 : i32
        %dma_start3A_23 = tpu.memref_slice %arg7[%add3A_11, %dma_start3A_22] : memref<320000x128xf32, #tpu.memory_space<hbm>> -> memref<80x128xf32, #tpu.memory_space<hbm>>
        %dma_start3A_24 = arith.constant 0 : i32
        %dma_start3A_25 = tpu.memref_slice %arg7[%add3A_11, %dma_start3A_24] : memref<320000x128xf32, #tpu.memory_space<hbm>> -> memref<80x128xf32, #tpu.memory_space<hbm>>
        tpu.enqueue_dma source(%arg11 : memref<80x128xf32, #tpu.memory_space<vmem>>) target(%dma_start3A_25 : memref<80x128xf32, #tpu.memory_space<hbm>>) target_semaphore(%run_scoped3A : memref<!tpu.dma_semaphore, #tpu.memory_space<semaphore_mem>>)
        %dma_wait3A_26 = arith.constant 0 : i32
        %dma_wait3A_27 = tpu.memref_slice %arg7[%add3A_11, %dma_wait3A_26] : memref<320000x128xf32, #tpu.memory_space<hbm>> -> memref<80x128xf32, #tpu.memory_space<hbm>>
        %dma_wait3A_28 = arith.constant 0 : i32
        %dma_wait3A_29 = tpu.memref_slice %arg7[%add3A_11, %dma_wait3A_28] : memref<320000x128xf32, #tpu.memory_space<hbm>> -> memref<80x128xf32, #tpu.memory_space<hbm>>
        tpu.wait_dma2 semaphore(%run_scoped3A : memref<!tpu.dma_semaphore, #tpu.memory_space<semaphore_mem>>) src(%arg11 : memref<80x128xf32, #tpu.memory_space<vmem>>) dst(%dma_wait3A_29 : memref<80x128xf32, #tpu.memory_space<hbm>>)
        tpu.yield
      }) : () -> ()
    }
    %scan3A_7 = arith.constant 125 : i32
    return
  }
}

module attributes {stable_mosaic.version = 14 : i64} {
  func.func @_s1_body(%arg0: i32, %arg1: memref<2560x128xf32, #tpu.memory_space<vmem>>, %arg2: memref<128x128xf32, #tpu.memory_space<vmem>>, %arg3: memref<1x128xf32, #tpu.memory_space<vmem>>, %arg4: memref<128x128xf32, #tpu.memory_space<vmem>>, %arg5: memref<1x128xf32, #tpu.memory_space<vmem>>, %arg6: memref<2560x128xf32, #tpu.memory_space<vmem>>, %arg7: memref<8x128xf32, #tpu.memory_space<vmem>>) attributes {dimension_semantics = [#tpu.dimension_semantics<arbitrary>], iteration_bounds = array<i64: 125>, scalar_prefetch = 0 : i64, scratch_operands = 0 : i64, tpu.core_type = #tpu.core_type<tc>, window_params = [{transform_indices = @transform_0, window_bounds = array<i64: 2560, 128>}, {pipeline_mode = #tpu.pipeline_mode<synchronous>, transform_indices = @transform_1, window_bounds = array<i64: 128, 128>}, {pipeline_mode = #tpu.pipeline_mode<synchronous>, transform_indices = @transform_2, window_bounds = array<i64: 1, 128>}, {pipeline_mode = #tpu.pipeline_mode<synchronous>, transform_indices = @transform_3, window_bounds = array<i64: 128, 128>}, {pipeline_mode = #tpu.pipeline_mode<synchronous>, transform_indices = @transform_4, window_bounds = array<i64: 1, 128>}, {transform_indices = @transform_5, window_bounds = array<i64: 2560, 128>}, {pipeline_mode = #tpu.pipeline_mode<synchronous>, transform_indices = @transform_6, window_bounds = array<i64: 8, 128>}]} {
    %get3A = arith.constant 0 : index
    %get3A_0 = arith.constant 0 : index
    %get3A_1 = vector.load %arg1[%get3A, %get3A_0] : memref<2560x128xf32, #tpu.memory_space<vmem>>, vector<2560x128xf32>
    %get3A_2 = arith.constant 0 : index
    %get3A_3 = arith.constant 0 : index
    %get3A_4 = vector.load %arg2[%get3A_2, %get3A_3] : memref<128x128xf32, #tpu.memory_space<vmem>>, vector<128x128xf32>
    %dot_general3A = arith.constant dense<0.000000e+00> : vector<2560x128xf32>
    %dot_general3A_5 = tpu.matmul %get3A_1, %get3A_4, %dot_general3A {dimension_numbers = #tpu.dot_dimension_numbers<[1], [0], [0], [1], [0, 0, 1, 1], [], []>, transpose_lhs_hint = false} : vector<2560x128xf32>, vector<128x128xf32>, vector<2560x128xf32> -> vector<2560x128xf32>
    %get3A_6 = arith.constant 0 : index
    %get3A_7 = arith.constant 0 : index
    %get3A_8 = vector.load %arg3[%get3A_6, %get3A_7] : memref<1x128xf32, #tpu.memory_space<vmem>>, vector<1x128xf32>
    %add3A = vector.broadcast %get3A_8 : vector<1x128xf32> to vector<2560x128xf32>
    %add3A_9 = arith.addf %dot_general3A_5, %add3A : vector<2560x128xf32>
    %gt3A = arith.constant 0.000000e+00 : f32
    %gt3A_10 = vector.broadcast %gt3A : f32 to vector<2560x128xf32>
    %gt3A_11 = arith.cmpf ogt, %add3A_9, %gt3A_10 : vector<2560x128xf32>
    %min3A = arith.constant 0.000000e+00 : f32
    %min3A_12 = vector.broadcast %min3A : f32 to vector<2560x128xf32>
    %min3A_13 = arith.minimumf %add3A_9, %min3A_12 : vector<2560x128xf32>
    %exp3A = math.exp %min3A_13 : vector<2560x128xf32>
    %sub3A = arith.constant 1.000000e+00 : f32
    %sub3A_14 = vector.broadcast %sub3A : f32 to vector<2560x128xf32>
    %sub3A_15 = arith.subf %exp3A, %sub3A_14 : vector<2560x128xf32>
    %select_n3A = arith.select %gt3A_11, %add3A_9, %sub3A_15 : vector<2560x128xi1>, vector<2560x128xf32>
    %get3A_16 = arith.constant 0 : index
    %get3A_17 = arith.constant 0 : index
    %get3A_18 = vector.load %arg4[%get3A_16, %get3A_17] : memref<128x128xf32, #tpu.memory_space<vmem>>, vector<128x128xf32>
    %dot_general3A_19 = arith.constant dense<0.000000e+00> : vector<2560x128xf32>
    %dot_general3A_20 = tpu.matmul %select_n3A, %get3A_18, %dot_general3A_19 {dimension_numbers = #tpu.dot_dimension_numbers<[1], [0], [0], [1], [0, 0, 1, 1], [], []>, transpose_lhs_hint = false} : vector<2560x128xf32>, vector<128x128xf32>, vector<2560x128xf32> -> vector<2560x128xf32>
    %get3A_21 = arith.constant 0 : index
    %get3A_22 = arith.constant 0 : index
    %get3A_23 = vector.load %arg5[%get3A_21, %get3A_22] : memref<1x128xf32, #tpu.memory_space<vmem>>, vector<1x128xf32>
    %add3A_24 = vector.broadcast %get3A_23 : vector<1x128xf32> to vector<2560x128xf32>
    %add3A_25 = arith.addf %dot_general3A_20, %add3A_24 : vector<2560x128xf32>
    %gt3A_26 = arith.constant 0.000000e+00 : f32
    %gt3A_27 = vector.broadcast %gt3A_26 : f32 to vector<2560x128xf32>
    %gt3A_28 = arith.cmpf ogt, %add3A_25, %gt3A_27 : vector<2560x128xf32>
    %min3A_29 = arith.constant 0.000000e+00 : f32
    %min3A_30 = vector.broadcast %min3A_29 : f32 to vector<2560x128xf32>
    %min3A_31 = arith.minimumf %add3A_25, %min3A_30 : vector<2560x128xf32>
    %exp3A_32 = math.exp %min3A_31 : vector<2560x128xf32>
    %sub3A_33 = arith.constant 1.000000e+00 : f32
    %sub3A_34 = vector.broadcast %sub3A_33 : f32 to vector<2560x128xf32>
    %sub3A_35 = arith.subf %exp3A_32, %sub3A_34 : vector<2560x128xf32>
    %select_n3A_36 = arith.select %gt3A_28, %add3A_25, %sub3A_35 : vector<2560x128xi1>, vector<2560x128xf32>
    %swap3A = arith.constant 0 : index
    %swap3A_37 = arith.constant 0 : index
    %swap3A_38 = vector.load %arg6[%swap3A, %swap3A_37] : memref<2560x128xf32, #tpu.memory_space<vmem>>, vector<2560x128xf32>
    tpu.vector_store %arg6[%swap3A, %swap3A_37], %select_n3A_36 {strides = array<i32>} : memref<2560x128xf32, #tpu.memory_space<vmem>>, vector<2560x128xf32>,
    %eq3A = arith.constant 0 : i32
    %eq3A_39 = arith.cmpi eq, %arg0, %eq3A : i32
    %convert_element_type3A = arith.extui %eq3A_39 : i1 to i32
    %cond3A = arith.constant 0 : i32
    %cond3A_40 = arith.cmpi ne, %convert_element_type3A, %cond3A : i32
    scf.if %cond3A_40 {
      %broadcast_in_dim3A_59 = arith.constant 0.000000e+00 : f32
      %broadcast_in_dim3A_60 = vector.broadcast %broadcast_in_dim3A_59 : f32 to vector<8x128xf32>
      %swap3A_61 = arith.constant 0 : index
      %swap3A_62 = arith.constant 0 : index
      %swap3A_63 = vector.load %arg7[%swap3A_61, %swap3A_62] : memref<8x128xf32, #tpu.memory_space<vmem>>, vector<8x128xf32>
      tpu.vector_store %arg7[%swap3A_61, %swap3A_62], %broadcast_in_dim3A_60 {strides = array<i32>} : memref<8x128xf32, #tpu.memory_space<vmem>>, vector<8x128xf32>,
    } else {
    }
    %get3A_41 = arith.constant 0 : index
    %get3A_42 = arith.constant 0 : index
    %get3A_43 = vector.load %arg7[%get3A_41, %get3A_42] : memref<8x128xf32, #tpu.memory_space<vmem>>, vector<1x128xf32>
    %reduce_sum3A = arith.constant dense<0.000000e+00> : vector<128xf32>
    %reduce_sum3A_44 = vector.multi_reduction <add>, %select_n3A_36, %reduce_sum3A [0] : vector<2560x128xf32> to vector<128xf32>
    %broadcast_in_dim3A = vector.shape_cast %reduce_sum3A_44 : vector<128xf32> to vector<1x128xf32>
    %add3A_45 = arith.addf %get3A_43, %broadcast_in_dim3A : vector<1x128xf32>
    %swap3A_46 = arith.constant 0 : index
    %swap3A_47 = arith.constant 0 : index
    %swap3A_48 = vector.load %arg7[%swap3A_46, %swap3A_47] : memref<8x128xf32, #tpu.memory_space<vmem>>, vector<1x128xf32>
    tpu.vector_store %arg7[%swap3A_46, %swap3A_47], %add3A_45 {strides = array<i32>} : memref<8x128xf32, #tpu.memory_space<vmem>>, vector<1x128xf32>,
    %get3A_49 = arith.constant 1 : index
    %get3A_50 = arith.constant 0 : index
    %get3A_51 = vector.load %arg7[%get3A_49, %get3A_50] : memref<8x128xf32, #tpu.memory_space<vmem>>, vector<1x128xf32>
    %mul3A = arith.mulf %select_n3A_36, %select_n3A_36 : vector<2560x128xf32>
    %reduce_sum3A_52 = arith.constant dense<0.000000e+00> : vector<128xf32>
    %reduce_sum3A_53 = vector.multi_reduction <add>, %mul3A, %reduce_sum3A_52 [0] : vector<2560x128xf32> to vector<128xf32>
    %broadcast_in_dim3A_54 = vector.shape_cast %reduce_sum3A_53 : vector<128xf32> to vector<1x128xf32>
    %add3A_55 = arith.addf %get3A_51, %broadcast_in_dim3A_54 : vector<1x128xf32>
    %swap3A_56 = arith.constant 1 : index
    %swap3A_57 = arith.constant 0 : index
    %swap3A_58 = vector.load %arg7[%swap3A_56, %swap3A_57] : memref<8x128xf32, #tpu.memory_space<vmem>>, vector<1x128xf32>
    tpu.vector_store %arg7[%swap3A_56, %swap3A_57], %add3A_55 {strides = array<i32>} : memref<8x128xf32, #tpu.memory_space<vmem>>, vector<1x128xf32>,
    return
  }
  func.func @transform_0(%arg0: i32) -> (i32, i32) {
    %c0_i32 = arith.constant 0 : i32
    %c0_i32_0 = arith.constant 0 : i32
    return %arg0, %c0_i32 : i32, i32
  }
  func.func @transform_1(%arg0: i32) -> (i32, i32) {
    %c0_i32 = arith.constant 0 : i32
    %c0_i32_0 = arith.constant 0 : i32
    %c0_i32_1 = arith.constant 0 : i32
    return %c0_i32, %c0_i32_0 : i32, i32
  }
  func.func @transform_2(%arg0: i32) -> (i32, i32) {
    %c0_i32 = arith.constant 0 : i32
    %c0_i32_0 = arith.constant 0 : i32
    %c0_i32_1 = arith.constant 0 : i32
    return %c0_i32, %c0_i32_0 : i32, i32
  }
  func.func @transform_3(%arg0: i32) -> (i32, i32) {
    %c0_i32 = arith.constant 0 : i32
    %c0_i32_0 = arith.constant 0 : i32
    %c0_i32_1 = arith.constant 0 : i32
    return %c0_i32, %c0_i32_0 : i32, i32
  }
  func.func @transform_4(%arg0: i32) -> (i32, i32) {
    %c0_i32 = arith.constant 0 : i32
    %c0_i32_0 = arith.constant 0 : i32
    %c0_i32_1 = arith.constant 0 : i32
    return %c0_i32, %c0_i32_0 : i32, i32
  }
  func.func @transform_5(%arg0: i32) -> (i32, i32) {
    %c0_i32 = arith.constant 0 : i32
    %c0_i32_0 = arith.constant 0 : i32
    return %arg0, %c0_i32 : i32, i32
  }
  func.func @transform_6(%arg0: i32) -> (i32, i32) {
    %c0_i32 = arith.constant 0 : i32
    %c0_i32_0 = arith.constant 0 : i32
    %c0_i32_1 = arith.constant 0 : i32
    return %c0_i32, %c0_i32_0 : i32, i32
  }
}

module attributes {stable_mosaic.version = 14 : i64} {
  func.func @_s3_body(%arg0: i32, %arg1: memref<2x5120x128xf32, #tpu.memory_space<vmem>>, %arg2: memref<2x5120x16xf32, #tpu.memory_space<vmem>>, %arg3: memref<8x128xf32, #tpu.memory_space<vmem>>, %arg4: memref<1x128xf32, #tpu.memory_space<vmem>>, %arg5: memref<1x128xf32, #tpu.memory_space<vmem>>, %arg6: memref<128x128xf32, #tpu.memory_space<vmem>>, %arg7: memref<1x128xf32, #tpu.memory_space<vmem>>, %arg8: memref<128x128xf32, #tpu.memory_space<vmem>>, %arg9: memref<1x128xf32, #tpu.memory_space<vmem>>, %arg10: memref<1x128xf32, #tpu.memory_space<vmem>>, %arg11: memref<1x128xf32, #tpu.memory_space<vmem>>, %arg12: memref<128x128xf32, #tpu.memory_space<vmem>>, %arg13: memref<128x128xf32, #tpu.memory_space<vmem>>, %arg14: memref<10000x128xf32, #tpu.memory_space<vmem>>, %arg15: memref<10000x128xf32, #tpu.memory_space<vmem>>) attributes {dimension_semantics = [#tpu.dimension_semantics<arbitrary>], iteration_bounds = array<i64: 1>, scalar_prefetch = 0 : i64, scratch_operands = 0 : i64, tpu.core_type = #tpu.core_type<tc>, window_params = [{pipeline_mode = #tpu.pipeline_mode<synchronous>, transform_indices = @transform_0, window_bounds = array<i64: 2, 5120, 128>}, {pipeline_mode = #tpu.pipeline_mode<synchronous>, transform_indices = @transform_1, window_bounds = array<i64: 2, 5120, 16>}, {pipeline_mode = #tpu.pipeline_mode<synchronous>, transform_indices = @transform_2, window_bounds = array<i64: 8, 128>}, {pipeline_mode = #tpu.pipeline_mode<synchronous>, transform_indices = @transform_3, window_bounds = array<i64: 1, 128>}, {pipeline_mode = #tpu.pipeline_mode<synchronous>, transform_indices = @transform_4, window_bounds = array<i64: 1, 128>}, {pipeline_mode = #tpu.pipeline_mode<synchronous>, transform_indices = @transform_5, window_bounds = array<i64: 128, 128>}, {pipeline_mode = #tpu.pipeline_mode<synchronous>, transform_indices = @transform_6, window_bounds = array<i64: 1, 128>}, {pipeline_mode = #tpu.pipeline_mode<synchronous>, transform_indices = @transform_7, window_bounds = array<i64: 128, 128>}, {pipeline_mode = #tpu.pipeline_mode<synchronous>, transform_indices = @transform_8, window_bounds = array<i64: 1, 128>}, {pipeline_mode = #tpu.pipeline_mode<synchronous>, transform_indices = @transform_9, window_bounds = array<i64: 1, 128>}, {pipeline_mode = #tpu.pipeline_mode<synchronous>, transform_indices = @transform_10, window_bounds = array<i64: 1, 128>}, {pipeline_mode = #tpu.pipeline_mode<synchronous>, transform_indices = @transform_11, window_bounds = array<i64: 128, 128>}, {pipeline_mode = #tpu.pipeline_mode<synchronous>, transform_indices = @transform_12, window_bounds = array<i64: 128, 128>}, {pipeline_mode = #tpu.pipeline_mode<synchronous>, transform_indices = @transform_13, window_bounds = array<i64: 10000, 128>}, {pipeline_mode = #tpu.pipeline_mode<synchronous>, transform_indices = @transform_14, window_bounds = array<i64: 10000, 128>}]} {
    %get3A = arith.constant 0 : index
    %get3A_0 = arith.constant 0 : index
    %get3A_1 = arith.constant 0 : index
    %get3A_2 = vector.load %arg1[%get3A, %get3A_0, %get3A_1] : memref<2x5120x128xf32, #tpu.memory_space<vmem>>, vector<1x5120x128xf32>
    %get3A_3 = vector.shape_cast %get3A_2 : vector<1x5120x128xf32> to vector<5120x128xf32>
    %get3A_4 = arith.constant 1 : index
    %get3A_5 = arith.constant 0 : index
    %get3A_6 = arith.constant 0 : index
    %get3A_7 = vector.load %arg1[%get3A_4, %get3A_5, %get3A_6] : memref<2x5120x128xf32, #tpu.memory_space<vmem>>, vector<1x4880x128xf32>
    %get3A_8 = vector.shape_cast %get3A_7 : vector<1x4880x128xf32> to vector<4880x128xf32>
    %concatenate3A = tpu.concatenate %get3A_3, %get3A_8 in 0 : vector<5120x128xf32>, vector<4880x128xf32> -> vector<10000x128xf32>
    %get3A_9 = arith.constant 0 : index
    %get3A_10 = arith.constant 0 : index
    %get3A_11 = arith.constant 0 : index
    %get3A_12 = vector.load %arg2[%get3A_9, %get3A_10, %get3A_11] : memref<2x5120x16xf32, #tpu.memory_space<vmem>>, vector<1x5120x1xf32>
    %get3A_13 = vector.shape_cast %get3A_12 : vector<1x5120x1xf32> to vector<5120x1xf32>
    %get3A_14 = arith.constant 1 : index
    %get3A_15 = arith.constant 0 : index
    %get3A_16 = arith.constant 0 : index
    %get3A_17 = vector.load %arg2[%get3A_14, %get3A_15, %get3A_16] : memref<2x5120x16xf32, #tpu.memory_space<vmem>>, vector<1x4880x1xf32>
    %get3A_18 = vector.shape_cast %get3A_17 : vector<1x4880x1xf32> to vector<4880x1xf32>
    %concatenate3A_19 = tpu.concatenate %get3A_13, %get3A_18 in 0 : vector<5120x1xf32>, vector<4880x1xf32> -> vector<10000x1xf32>
    %get3A_20 = arith.constant 0 : index
    %get3A_21 = arith.constant 0 : index
    %get3A_22 = vector.load %arg3[%get3A_20, %get3A_21] : memref<8x128xf32, #tpu.memory_space<vmem>>, vector<1x128xf32>
    %div3A = arith.constant 3.200000e+05 : f32
    %div3A_23 = vector.broadcast %div3A : f32 to vector<1x128xf32>
    %div3A_24 = arith.divf %get3A_22, %div3A_23 : vector<1x128xf32>
    %get3A_25 = arith.constant 1 : index
    %get3A_26 = arith.constant 0 : index
    %get3A_27 = vector.load %arg3[%get3A_25, %get3A_26] : memref<8x128xf32, #tpu.memory_space<vmem>>, vector<1x128xf32>
    %div3A_28 = arith.constant 3.200000e+05 : f32
    %div3A_29 = vector.broadcast %div3A_28 : f32 to vector<1x128xf32>
    %div3A_30 = arith.divf %get3A_27, %div3A_29 : vector<1x128xf32>
    %mul3A = arith.mulf %div3A_24, %div3A_24 : vector<1x128xf32>
    %sub3A = arith.subf %div3A_30, %mul3A : vector<1x128xf32>
    %get3A_31 = arith.constant 0 : index
    %get3A_32 = arith.constant 0 : index
    %get3A_33 = vector.load %arg4[%get3A_31, %get3A_32] : memref<1x128xf32, #tpu.memory_space<vmem>>, vector<1x128xf32>
    %add3A = arith.constant 9.99999974E-6 : f32
    %add3A_34 = vector.broadcast %add3A : f32 to vector<1x128xf32>
    %add3A_35 = arith.addf %sub3A, %add3A_34 : vector<1x128xf32>
    %rsqrt3A = math.rsqrt %add3A_35 : vector<1x128xf32>
    %mul3A_36 = arith.mulf %get3A_33, %rsqrt3A : vector<1x128xf32>
    %get3A_37 = arith.constant 0 : index
    %get3A_38 = arith.constant 0 : index
    %get3A_39 = vector.load %arg5[%get3A_37, %get3A_38] : memref<1x128xf32, #tpu.memory_space<vmem>>, vector<1x128xf32>
    %mul3A_40 = arith.mulf %div3A_24, %mul3A_36 : vector<1x128xf32>
    %sub3A_41 = arith.subf %get3A_39, %mul3A_40 : vector<1x128xf32>
    %mul3A_42 = vector.broadcast %mul3A_36 : vector<1x128xf32> to vector<10000x128xf32>
    %mul3A_43 = arith.mulf %concatenate3A, %mul3A_42 : vector<10000x128xf32>
    %mul3A_44 = vector.broadcast %concatenate3A_19 : vector<10000x1xf32> to vector<10000x128xf32>
    %mul3A_45 = vector.broadcast %sub3A_41 : vector<1x128xf32> to vector<10000x128xf32>
    %mul3A_46 = arith.mulf %mul3A_44, %mul3A_45 : vector<10000x128xf32>
    %add3A_47 = arith.addf %mul3A_43, %mul3A_46 : vector<10000x128xf32>
    %max3A = arith.constant 1.000000e+00 : f32
    %max3A_48 = vector.broadcast %max3A : f32 to vector<10000x1xf32>
    %max3A_49 = arith.maximumf %concatenate3A_19, %max3A_48 : vector<10000x1xf32>
    %div3A_50 = vector.broadcast %max3A_49 : vector<10000x1xf32> to vector<10000x128xf32>
    %div3A_51 = arith.divf %add3A_47, %div3A_50 : vector<10000x128xf32>
    %get3A_52 = arith.constant 0 : index
    %get3A_53 = arith.constant 0 : index
    %get3A_54 = vector.load %arg6[%get3A_52, %get3A_53] : memref<128x128xf32, #tpu.memory_space<vmem>>, vector<128x128xf32>
    %dot_general3A = arith.constant dense<0.000000e+00> : vector<10000x128xf32>
    %dot_general3A_55 = tpu.matmul %div3A_51, %get3A_54, %dot_general3A {dimension_numbers = #tpu.dot_dimension_numbers<[1], [0], [0], [1], [0, 0, 1, 1], [], []>, transpose_lhs_hint = false} : vector<10000x128xf32>, vector<128x128xf32>, vector<10000x128xf32> -> vector<10000x128xf32>
    %get3A_56 = arith.constant 0 : index
    %get3A_57 = arith.constant 0 : index
    %get3A_58 = vector.load %arg7[%get3A_56, %get3A_57] : memref<1x128xf32, #tpu.memory_space<vmem>>, vector<1x128xf32>
    %add3A_59 = vector.broadcast %get3A_58 : vector<1x128xf32> to vector<10000x128xf32>
    %add3A_60 = arith.addf %dot_general3A_55, %add3A_59 : vector<10000x128xf32>
    %gt3A = arith.constant 0.000000e+00 : f32
    %gt3A_61 = vector.broadcast %gt3A : f32 to vector<10000x128xf32>
    %gt3A_62 = arith.cmpf ogt, %add3A_60, %gt3A_61 : vector<10000x128xf32>
    %min3A = arith.constant 0.000000e+00 : f32
    %min3A_63 = vector.broadcast %min3A : f32 to vector<10000x128xf32>
    %min3A_64 = arith.minimumf %add3A_60, %min3A_63 : vector<10000x128xf32>
    %exp3A = math.exp %min3A_64 : vector<10000x128xf32>
    %sub3A_65 = arith.constant 1.000000e+00 : f32
    %sub3A_66 = vector.broadcast %sub3A_65 : f32 to vector<10000x128xf32>
    %sub3A_67 = arith.subf %exp3A, %sub3A_66 : vector<10000x128xf32>
    %select_n3A = arith.select %gt3A_62, %add3A_60, %sub3A_67 : vector<10000x128xi1>, vector<10000x128xf32>
    %get3A_68 = arith.constant 0 : index
    %get3A_69 = arith.constant 0 : index
    %get3A_70 = vector.load %arg8[%get3A_68, %get3A_69] : memref<128x128xf32, #tpu.memory_space<vmem>>, vector<128x128xf32>
    %dot_general3A_71 = arith.constant dense<0.000000e+00> : vector<10000x128xf32>
    %dot_general3A_72 = tpu.matmul %select_n3A, %get3A_70, %dot_general3A_71 {dimension_numbers = #tpu.dot_dimension_numbers<[1], [0], [0], [1], [0, 0, 1, 1], [], []>, transpose_lhs_hint = false} : vector<10000x128xf32>, vector<128x128xf32>, vector<10000x128xf32> -> vector<10000x128xf32>
    %get3A_73 = arith.constant 0 : index
    %get3A_74 = arith.constant 0 : index
    %get3A_75 = vector.load %arg9[%get3A_73, %get3A_74] : memref<1x128xf32, #tpu.memory_space<vmem>>, vector<1x128xf32>
    %add3A_76 = vector.broadcast %get3A_75 : vector<1x128xf32> to vector<10000x128xf32>
    %add3A_77 = arith.addf %dot_general3A_72, %add3A_76 : vector<10000x128xf32>
    %gt3A_78 = arith.constant 0.000000e+00 : f32
    %gt3A_79 = vector.broadcast %gt3A_78 : f32 to vector<10000x128xf32>
    %gt3A_80 = arith.cmpf ogt, %add3A_77, %gt3A_79 : vector<10000x128xf32>
    %min3A_81 = arith.constant 0.000000e+00 : f32
    %min3A_82 = vector.broadcast %min3A_81 : f32 to vector<10000x128xf32>
    %min3A_83 = arith.minimumf %add3A_77, %min3A_82 : vector<10000x128xf32>
    %exp3A_84 = math.exp %min3A_83 : vector<10000x128xf32>
    %sub3A_85 = arith.constant 1.000000e+00 : f32
    %sub3A_86 = vector.broadcast %sub3A_85 : f32 to vector<10000x128xf32>
    %sub3A_87 = arith.subf %exp3A_84, %sub3A_86 : vector<10000x128xf32>
    %select_n3A_88 = arith.select %gt3A_80, %add3A_77, %sub3A_87 : vector<10000x128xi1>, vector<10000x128xf32>
    %reduce_sum3A = arith.constant dense<0.000000e+00> : vector<128xf32>
    %reduce_sum3A_89 = vector.multi_reduction <add>, %select_n3A_88, %reduce_sum3A [0] : vector<10000x128xf32> to vector<128xf32>
    %broadcast_in_dim3A = vector.shape_cast %reduce_sum3A_89 : vector<128xf32> to vector<1x128xf32>
    %div3A_90 = arith.constant 1.000000e+04 : f32
    %div3A_91 = vector.broadcast %div3A_90 : f32 to vector<1x128xf32>
    %div3A_92 = arith.divf %broadcast_in_dim3A, %div3A_91 : vector<1x128xf32>
    %sub3A_93 = vector.broadcast %div3A_92 : vector<1x128xf32> to vector<10000x128xf32>
    %sub3A_94 = arith.subf %select_n3A_88, %sub3A_93 : vector<10000x128xf32>
    %integer_pow3A = arith.mulf %sub3A_94, %sub3A_94 : vector<10000x128xf32>
    %reduce_sum3A_95 = arith.constant dense<0.000000e+00> : vector<128xf32>
    %reduce_sum3A_96 = vector.multi_reduction <add>, %integer_pow3A, %reduce_sum3A_95 [0] : vector<10000x128xf32> to vector<128xf32>
    %broadcast_in_dim3A_97 = vector.shape_cast %reduce_sum3A_96 : vector<128xf32> to vector<1x128xf32>
    %div3A_98 = arith.constant 1.000000e+04 : f32
    %div3A_99 = vector.broadcast %div3A_98 : f32 to vector<1x128xf32>
    %div3A_100 = arith.divf %broadcast_in_dim3A_97, %div3A_99 : vector<1x128xf32>
    %sub3A_101 = vector.broadcast %div3A_92 : vector<1x128xf32> to vector<10000x128xf32>
    %sub3A_102 = arith.subf %select_n3A_88, %sub3A_101 : vector<10000x128xf32>
    %add3A_103 = arith.constant 9.99999974E-6 : f32
    %add3A_104 = vector.broadcast %add3A_103 : f32 to vector<1x128xf32>
    %add3A_105 = arith.addf %div3A_100, %add3A_104 : vector<1x128xf32>
    %rsqrt3A_106 = math.rsqrt %add3A_105 : vector<1x128xf32>
    %mul3A_107 = vector.broadcast %rsqrt3A_106 : vector<1x128xf32> to vector<10000x128xf32>
    %mul3A_108 = arith.mulf %sub3A_102, %mul3A_107 : vector<10000x128xf32>
    %get3A_109 = arith.constant 0 : index
    %get3A_110 = arith.constant 0 : index
    %get3A_111 = vector.load %arg10[%get3A_109, %get3A_110] : memref<1x128xf32, #tpu.memory_space<vmem>>, vector<1x128xf32>
    %mul3A_112 = vector.broadcast %get3A_111 : vector<1x128xf32> to vector<10000x128xf32>
    %mul3A_113 = arith.mulf %mul3A_108, %mul3A_112 : vector<10000x128xf32>
    %get3A_114 = arith.constant 0 : index
    %get3A_115 = arith.constant 0 : index
    %get3A_116 = vector.load %arg11[%get3A_114, %get3A_115] : memref<1x128xf32, #tpu.memory_space<vmem>>, vector<1x128xf32>
    %add3A_117 = vector.broadcast %get3A_116 : vector<1x128xf32> to vector<10000x128xf32>
    %add3A_118 = arith.addf %mul3A_113, %add3A_117 : vector<10000x128xf32>
    %get3A_119 = arith.constant 0 : index
    %get3A_120 = arith.constant 0 : index
    %get3A_121 = vector.load %arg12[%get3A_119, %get3A_120] : memref<128x128xf32, #tpu.memory_space<vmem>>, vector<128x128xf32>
    %dot_general3A_122 = arith.constant dense<0.000000e+00> : vector<10000x128xf32>
    %dot_general3A_123 = tpu.matmul %add3A_118, %get3A_121, %dot_general3A_122 {dimension_numbers = #tpu.dot_dimension_numbers<[1], [0], [0], [1], [0, 0, 1, 1], [], []>, transpose_lhs_hint = false} : vector<10000x128xf32>, vector<128x128xf32>, vector<10000x128xf32> -> vector<10000x128xf32>
    %swap3A = arith.constant 0 : index
    %swap3A_124 = arith.constant 0 : index
    %swap3A_125 = vector.load %arg14[%swap3A, %swap3A_124] : memref<10000x128xf32, #tpu.memory_space<vmem>>, vector<10000x128xf32>
    tpu.vector_store %arg14[%swap3A, %swap3A_124], %dot_general3A_123 {strides = array<i32>} : memref<10000x128xf32, #tpu.memory_space<vmem>>, vector<10000x128xf32>,
    %get3A_126 = arith.constant 0 : index
    %get3A_127 = arith.constant 0 : index
    %get3A_128 = vector.load %arg13[%get3A_126, %get3A_127] : memref<128x128xf32, #tpu.memory_space<vmem>>, vector<128x128xf32>
    %dot_general3A_129 = arith.constant dense<0.000000e+00> : vector<10000x128xf32>
    %dot_general3A_130 = tpu.matmul %add3A_118, %get3A_128, %dot_general3A_129 {dimension_numbers = #tpu.dot_dimension_numbers<[1], [0], [0], [1], [0, 0, 1, 1], [], []>, transpose_lhs_hint = false} : vector<10000x128xf32>, vector<128x128xf32>, vector<10000x128xf32> -> vector<10000x128xf32>
    %swap3A_131 = arith.constant 0 : index
    %swap3A_132 = arith.constant 0 : index
    %swap3A_133 = vector.load %arg15[%swap3A_131, %swap3A_132] : memref<10000x128xf32, #tpu.memory_space<vmem>>, vector<10000x128xf32>
    tpu.vector_store %arg15[%swap3A_131, %swap3A_132], %dot_general3A_130 {strides = array<i32>} : memref<10000x128xf32, #tpu.memory_space<vmem>>, vector<10000x128xf32>,
    return
  }
  func.func @transform_0(%arg0: i32) -> (i32, i32, i32) {
    %c0_i32 = arith.constant 0 : i32
    %c0_i32_0 = arith.constant 0 : i32
    %c0_i32_1 = arith.constant 0 : i32
    %c0_i32_2 = arith.constant 0 : i32
    return %c0_i32, %c0_i32_0, %c0_i32_1 : i32, i32, i32
  }
  func.func @transform_1(%arg0: i32) -> (i32, i32, i32) {
    %c0_i32 = arith.constant 0 : i32
    %c0_i32_0 = arith.constant 0 : i32
    %c0_i32_1 = arith.constant 0 : i32
    %c0_i32_2 = arith.constant 0 : i32
    return %c0_i32, %c0_i32_0, %c0_i32_1 : i32, i32, i32
  }
  func.func @transform_2(%arg0: i32) -> (i32, i32) {
    %c0_i32 = arith.constant 0 : i32
    %c0_i32_0 = arith.constant 0 : i32
    %c0_i32_1 = arith.constant 0 : i32
    return %c0_i32, %c0_i32_0 : i32, i32
  }
  func.func @transform_3(%arg0: i32) -> (i32, i32) {
    %c0_i32 = arith.constant 0 : i32
    %c0_i32_0 = arith.constant 0 : i32
    %c0_i32_1 = arith.constant 0 : i32
    return %c0_i32, %c0_i32_0 : i32, i32
  }
  func.func @transform_4(%arg0: i32) -> (i32, i32) {
    %c0_i32 = arith.constant 0 : i32
    %c0_i32_0 = arith.constant 0 : i32
    %c0_i32_1 = arith.constant 0 : i32
    return %c0_i32, %c0_i32_0 : i32, i32
  }
  func.func @transform_5(%arg0: i32) -> (i32, i32) {
    %c0_i32 = arith.constant 0 : i32
    %c0_i32_0 = arith.constant 0 : i32
    %c0_i32_1 = arith.constant 0 : i32
    return %c0_i32, %c0_i32_0 : i32, i32
  }
  func.func @transform_6(%arg0: i32) -> (i32, i32) {
    %c0_i32 = arith.constant 0 : i32
    %c0_i32_0 = arith.constant 0 : i32
    %c0_i32_1 = arith.constant 0 : i32
    return %c0_i32, %c0_i32_0 : i32, i32
  }
  func.func @transform_7(%arg0: i32) -> (i32, i32) {
    %c0_i32 = arith.constant 0 : i32
    %c0_i32_0 = arith.constant 0 : i32
    %c0_i32_1 = arith.constant 0 : i32
    return %c0_i32, %c0_i32_0 : i32, i32
  }
  func.func @transform_8(%arg0: i32) -> (i32, i32) {
    %c0_i32 = arith.constant 0 : i32
    %c0_i32_0 = arith.constant 0 : i32
    %c0_i32_1 = arith.constant 0 : i32
    return %c0_i32, %c0_i32_0 : i32, i32
  }
  func.func @transform_9(%arg0: i32) -> (i32, i32) {
    %c0_i32 = arith.constant 0 : i32
    %c0_i32_0 = arith.constant 0 : i32
    %c0_i32_1 = arith.constant 0 : i32
    return %c0_i32, %c0_i32_0 : i32, i32
  }
  func.func @transform_10(%arg0: i32) -> (i32, i32) {
    %c0_i32 = arith.constant 0 : i32
    %c0_i32_0 = arith.constant 0 : i32
    %c0_i32_1 = arith.constant 0 : i32
    return %c0_i32, %c0_i32_0 : i32, i32
  }
  func.func @transform_11(%arg0: i32) -> (i32, i32) {
    %c0_i32 = arith.constant 0 : i32
    %c0_i32_0 = arith.constant 0 : i32
    %c0_i32_1 = arith.constant 0 : i32
    return %c0_i32, %c0_i32_0 : i32, i32
  }
  func.func @transform_12(%arg0: i32) -> (i32, i32) {
    %c0_i32 = arith.constant 0 : i32
    %c0_i32_0 = arith.constant 0 : i32
    %c0_i32_1 = arith.constant 0 : i32
    return %c0_i32, %c0_i32_0 : i32, i32
  }
  func.func @transform_13(%arg0: i32) -> (i32, i32) {
    %c0_i32 = arith.constant 0 : i32
    %c0_i32_0 = arith.constant 0 : i32
    %c0_i32_1 = arith.constant 0 : i32
    return %c0_i32, %c0_i32_0 : i32, i32
  }
  func.func @transform_14(%arg0: i32) -> (i32, i32) {
    %c0_i32 = arith.constant 0 : i32
    %c0_i32_0 = arith.constant 0 : i32
    %c0_i32_1 = arith.constant 0 : i32
    return %c0_i32, %c0_i32_0 : i32, i32
  }
}

module attributes {stable_mosaic.version = 14 : i64} {
  func.func @_s5_body(%arg0: i32, %arg1: memref<2560x128xf32, #tpu.memory_space<vmem>>, %arg2: memref<2560x128xf32, #tpu.memory_space<vmem>>, %arg3: memref<2560x128xf32, #tpu.memory_space<vmem>>, %arg4: memref<128x128xf32, #tpu.memory_space<vmem>>, %arg5: memref<1x128xf32, #tpu.memory_space<vmem>>, %arg6: memref<128x128xf32, #tpu.memory_space<vmem>>, %arg7: memref<1x128xf32, #tpu.memory_space<vmem>>, %arg8: memref<2560x128xf32, #tpu.memory_space<vmem>>, %arg9: memref<8x128xf32, #tpu.memory_space<vmem>>) attributes {dimension_semantics = [#tpu.dimension_semantics<arbitrary>], iteration_bounds = array<i64: 125>, scalar_prefetch = 0 : i64, scratch_operands = 0 : i64, tpu.core_type = #tpu.core_type<tc>, window_params = [{transform_indices = @transform_0, window_bounds = array<i64: 2560, 128>}, {transform_indices = @transform_1, window_bounds = array<i64: 2560, 128>}, {transform_indices = @transform_2, window_bounds = array<i64: 2560, 128>}, {pipeline_mode = #tpu.pipeline_mode<synchronous>, transform_indices = @transform_3, window_bounds = array<i64: 128, 128>}, {pipeline_mode = #tpu.pipeline_mode<synchronous>, transform_indices = @transform_4, window_bounds = array<i64: 1, 128>}, {pipeline_mode = #tpu.pipeline_mode<synchronous>, transform_indices = @transform_5, window_bounds = array<i64: 128, 128>}, {pipeline_mode = #tpu.pipeline_mode<synchronous>, transform_indices = @transform_6, window_bounds = array<i64: 1, 128>}, {transform_indices = @transform_7, window_bounds = array<i64: 2560, 128>}, {pipeline_mode = #tpu.pipeline_mode<synchronous>, transform_indices = @transform_8, window_bounds = array<i64: 8, 128>}]} {
    %get3A = arith.constant 0 : index
    %get3A_0 = arith.constant 0 : index
    %get3A_1 = vector.load %arg1[%get3A, %get3A_0] : memref<2560x128xf32, #tpu.memory_space<vmem>>, vector<2560x128xf32>
    %get3A_2 = arith.constant 0 : index
    %get3A_3 = arith.constant 0 : index
    %get3A_4 = vector.load %arg4[%get3A_2, %get3A_3] : memref<128x128xf32, #tpu.memory_space<vmem>>, vector<128x128xf32>
    %dot_general3A = arith.constant dense<0.000000e+00> : vector<2560x128xf32>
    %dot_general3A_5 = tpu.matmul %get3A_1, %get3A_4, %dot_general3A {dimension_numbers = #tpu.dot_dimension_numbers<[1], [0], [0], [1], [0, 0, 1, 1], [], []>, transpose_lhs_hint = false} : vector<2560x128xf32>, vector<128x128xf32>, vector<2560x128xf32> -> vector<2560x128xf32>
    %get3A_6 = arith.constant 0 : index
    %get3A_7 = arith.constant 0 : index
    %get3A_8 = vector.load %arg2[%get3A_6, %get3A_7] : memref<2560x128xf32, #tpu.memory_space<vmem>>, vector<2560x128xf32>
    %add3A = arith.addf %dot_general3A_5, %get3A_8 : vector<2560x128xf32>
    %get3A_9 = arith.constant 0 : index
    %get3A_10 = arith.constant 0 : index
    %get3A_11 = vector.load %arg3[%get3A_9, %get3A_10] : memref<2560x128xf32, #tpu.memory_space<vmem>>, vector<2560x128xf32>
    %add3A_12 = arith.addf %add3A, %get3A_11 : vector<2560x128xf32>
    %get3A_13 = arith.constant 0 : index
    %get3A_14 = arith.constant 0 : index
    %get3A_15 = vector.load %arg5[%get3A_13, %get3A_14] : memref<1x128xf32, #tpu.memory_space<vmem>>, vector<1x128xf32>
    %add3A_16 = vector.broadcast %get3A_15 : vector<1x128xf32> to vector<2560x128xf32>
    %add3A_17 = arith.addf %add3A_12, %add3A_16 : vector<2560x128xf32>
    %gt3A = arith.constant 0.000000e+00 : f32
    %gt3A_18 = vector.broadcast %gt3A : f32 to vector<2560x128xf32>
    %gt3A_19 = arith.cmpf ogt, %add3A_17, %gt3A_18 : vector<2560x128xf32>
    %min3A = arith.constant 0.000000e+00 : f32
    %min3A_20 = vector.broadcast %min3A : f32 to vector<2560x128xf32>
    %min3A_21 = arith.minimumf %add3A_17, %min3A_20 : vector<2560x128xf32>
    %exp3A = math.exp %min3A_21 : vector<2560x128xf32>
    %sub3A = arith.constant 1.000000e+00 : f32
    %sub3A_22 = vector.broadcast %sub3A : f32 to vector<2560x128xf32>
    %sub3A_23 = arith.subf %exp3A, %sub3A_22 : vector<2560x128xf32>
    %select_n3A = arith.select %gt3A_19, %add3A_17, %sub3A_23 : vector<2560x128xi1>, vector<2560x128xf32>
    %get3A_24 = arith.constant 0 : index
    %get3A_25 = arith.constant 0 : index
    %get3A_26 = vector.load %arg6[%get3A_24, %get3A_25] : memref<128x128xf32, #tpu.memory_space<vmem>>, vector<128x128xf32>
    %dot_general3A_27 = arith.constant dense<0.000000e+00> : vector<2560x128xf32>
    %dot_general3A_28 = tpu.matmul %select_n3A, %get3A_26, %dot_general3A_27 {dimension_numbers = #tpu.dot_dimension_numbers<[1], [0], [0], [1], [0, 0, 1, 1], [], []>, transpose_lhs_hint = false} : vector<2560x128xf32>, vector<128x128xf32>, vector<2560x128xf32> -> vector<2560x128xf32>
    %get3A_29 = arith.constant 0 : index
    %get3A_30 = arith.constant 0 : index
    %get3A_31 = vector.load %arg7[%get3A_29, %get3A_30] : memref<1x128xf32, #tpu.memory_space<vmem>>, vector<1x128xf32>
    %add3A_32 = vector.broadcast %get3A_31 : vector<1x128xf32> to vector<2560x128xf32>
    %add3A_33 = arith.addf %dot_general3A_28, %add3A_32 : vector<2560x128xf32>
    %gt3A_34 = arith.constant 0.000000e+00 : f32
    %gt3A_35 = vector.broadcast %gt3A_34 : f32 to vector<2560x128xf32>
    %gt3A_36 = arith.cmpf ogt, %add3A_33, %gt3A_35 : vector<2560x128xf32>
    %min3A_37 = arith.constant 0.000000e+00 : f32
    %min3A_38 = vector.broadcast %min3A_37 : f32 to vector<2560x128xf32>
    %min3A_39 = arith.minimumf %add3A_33, %min3A_38 : vector<2560x128xf32>
    %exp3A_40 = math.exp %min3A_39 : vector<2560x128xf32>
    %sub3A_41 = arith.constant 1.000000e+00 : f32
    %sub3A_42 = vector.broadcast %sub3A_41 : f32 to vector<2560x128xf32>
    %sub3A_43 = arith.subf %exp3A_40, %sub3A_42 : vector<2560x128xf32>
    %select_n3A_44 = arith.select %gt3A_36, %add3A_33, %sub3A_43 : vector<2560x128xi1>, vector<2560x128xf32>
    %swap3A = arith.constant 0 : index
    %swap3A_45 = arith.constant 0 : index
    %swap3A_46 = vector.load %arg8[%swap3A, %swap3A_45] : memref<2560x128xf32, #tpu.memory_space<vmem>>, vector<2560x128xf32>
    tpu.vector_store %arg8[%swap3A, %swap3A_45], %select_n3A_44 {strides = array<i32>} : memref<2560x128xf32, #tpu.memory_space<vmem>>, vector<2560x128xf32>,
    %eq3A = arith.constant 0 : i32
    %eq3A_47 = arith.cmpi eq, %arg0, %eq3A : i32
    %convert_element_type3A = arith.extui %eq3A_47 : i1 to i32
    %cond3A = arith.constant 0 : i32
    %cond3A_48 = arith.cmpi ne, %convert_element_type3A, %cond3A : i32
    scf.if %cond3A_48 {
      %broadcast_in_dim3A_67 = arith.constant 0.000000e+00 : f32
      %broadcast_in_dim3A_68 = vector.broadcast %broadcast_in_dim3A_67 : f32 to vector<8x128xf32>
      %swap3A_69 = arith.constant 0 : index
      %swap3A_70 = arith.constant 0 : index
      %swap3A_71 = vector.load %arg9[%swap3A_69, %swap3A_70] : memref<8x128xf32, #tpu.memory_space<vmem>>, vector<8x128xf32>
      tpu.vector_store %arg9[%swap3A_69, %swap3A_70], %broadcast_in_dim3A_68 {strides = array<i32>} : memref<8x128xf32, #tpu.memory_space<vmem>>, vector<8x128xf32>,
    } else {
    }
    %get3A_49 = arith.constant 0 : index
    %get3A_50 = arith.constant 0 : index
    %get3A_51 = vector.load %arg9[%get3A_49, %get3A_50] : memref<8x128xf32, #tpu.memory_space<vmem>>, vector<1x128xf32>
    %reduce_sum3A = arith.constant dense<0.000000e+00> : vector<128xf32>
    %reduce_sum3A_52 = vector.multi_reduction <add>, %select_n3A_44, %reduce_sum3A [0] : vector<2560x128xf32> to vector<128xf32>
    %broadcast_in_dim3A = vector.shape_cast %reduce_sum3A_52 : vector<128xf32> to vector<1x128xf32>
    %add3A_53 = arith.addf %get3A_51, %broadcast_in_dim3A : vector<1x128xf32>
    %swap3A_54 = arith.constant 0 : index
    %swap3A_55 = arith.constant 0 : index
    %swap3A_56 = vector.load %arg9[%swap3A_54, %swap3A_55] : memref<8x128xf32, #tpu.memory_space<vmem>>, vector<1x128xf32>
    tpu.vector_store %arg9[%swap3A_54, %swap3A_55], %add3A_53 {strides = array<i32>} : memref<8x128xf32, #tpu.memory_space<vmem>>, vector<1x128xf32>,
    %get3A_57 = arith.constant 1 : index
    %get3A_58 = arith.constant 0 : index
    %get3A_59 = vector.load %arg9[%get3A_57, %get3A_58] : memref<8x128xf32, #tpu.memory_space<vmem>>, vector<1x128xf32>
    %mul3A = arith.mulf %select_n3A_44, %select_n3A_44 : vector<2560x128xf32>
    %reduce_sum3A_60 = arith.constant dense<0.000000e+00> : vector<128xf32>
    %reduce_sum3A_61 = vector.multi_reduction <add>, %mul3A, %reduce_sum3A_60 [0] : vector<2560x128xf32> to vector<128xf32>
    %broadcast_in_dim3A_62 = vector.shape_cast %reduce_sum3A_61 : vector<128xf32> to vector<1x128xf32>
    %add3A_63 = arith.addf %get3A_59, %broadcast_in_dim3A_62 : vector<1x128xf32>
    %swap3A_64 = arith.constant 1 : index
    %swap3A_65 = arith.constant 0 : index
    %swap3A_66 = vector.load %arg9[%swap3A_64, %swap3A_65] : memref<8x128xf32, #tpu.memory_space<vmem>>, vector<1x128xf32>
    tpu.vector_store %arg9[%swap3A_64, %swap3A_65], %add3A_63 {strides = array<i32>} : memref<8x128xf32, #tpu.memory_space<vmem>>, vector<1x128xf32>,
    return
  }
  func.func @transform_0(%arg0: i32) -> (i32, i32) {
    %c0_i32 = arith.constant 0 : i32
    %c0_i32_0 = arith.constant 0 : i32
    return %arg0, %c0_i32 : i32, i32
  }
  func.func @transform_1(%arg0: i32) -> (i32, i32) {
    %c0_i32 = arith.constant 0 : i32
    %c0_i32_0 = arith.constant 0 : i32
    return %arg0, %c0_i32 : i32, i32
  }
  func.func @transform_2(%arg0: i32) -> (i32, i32) {
    %c0_i32 = arith.constant 0 : i32
    %c0_i32_0 = arith.constant 0 : i32
    return %arg0, %c0_i32 : i32, i32
  }
  func.func @transform_3(%arg0: i32) -> (i32, i32) {
    %c0_i32 = arith.constant 0 : i32
    %c0_i32_0 = arith.constant 0 : i32
    %c0_i32_1 = arith.constant 0 : i32
    return %c0_i32, %c0_i32_0 : i32, i32
  }
  func.func @transform_4(%arg0: i32) -> (i32, i32) {
    %c0_i32 = arith.constant 0 : i32
    %c0_i32_0 = arith.constant 0 : i32
    %c0_i32_1 = arith.constant 0 : i32
    return %c0_i32, %c0_i32_0 : i32, i32
  }
  func.func @transform_5(%arg0: i32) -> (i32, i32) {
    %c0_i32 = arith.constant 0 : i32
    %c0_i32_0 = arith.constant 0 : i32
    %c0_i32_1 = arith.constant 0 : i32
    return %c0_i32, %c0_i32_0 : i32, i32
  }
  func.func @transform_6(%arg0: i32) -> (i32, i32) {
    %c0_i32 = arith.constant 0 : i32
    %c0_i32_0 = arith.constant 0 : i32
    %c0_i32_1 = arith.constant 0 : i32
    return %c0_i32, %c0_i32_0 : i32, i32
  }
  func.func @transform_7(%arg0: i32) -> (i32, i32) {
    %c0_i32 = arith.constant 0 : i32
    %c0_i32_0 = arith.constant 0 : i32
    return %arg0, %c0_i32 : i32, i32
  }
  func.func @transform_8(%arg0: i32) -> (i32, i32) {
    %c0_i32 = arith.constant 0 : i32
    %c0_i32_0 = arith.constant 0 : i32
    %c0_i32_1 = arith.constant 0 : i32
    return %c0_i32, %c0_i32_0 : i32, i32
  }
}

module attributes {stable_mosaic.version = 14 : i64} {
  func.func @_s6_body(%arg0: i32, %arg1: memref<2560x128xf32, #tpu.memory_space<vmem>>, %arg2: memref<8x128xf32, #tpu.memory_space<vmem>>, %arg3: memref<1x128xf32, #tpu.memory_space<vmem>>, %arg4: memref<1x128xf32, #tpu.memory_space<vmem>>, %arg5: memref<2560x128xf32, #tpu.memory_space<vmem>>) attributes {dimension_semantics = [#tpu.dimension_semantics<arbitrary>], iteration_bounds = array<i64: 125>, scalar_prefetch = 0 : i64, scratch_operands = 0 : i64, tpu.core_type = #tpu.core_type<tc>, window_params = [{transform_indices = @transform_0, window_bounds = array<i64: 2560, 128>}, {pipeline_mode = #tpu.pipeline_mode<synchronous>, transform_indices = @transform_1, window_bounds = array<i64: 8, 128>}, {pipeline_mode = #tpu.pipeline_mode<synchronous>, transform_indices = @transform_2, window_bounds = array<i64: 1, 128>}, {pipeline_mode = #tpu.pipeline_mode<synchronous>, transform_indices = @transform_3, window_bounds = array<i64: 1, 128>}, {transform_indices = @transform_4, window_bounds = array<i64: 2560, 128>}]} {
    %get3A = arith.constant 0 : index
    %get3A_0 = arith.constant 0 : index
    %get3A_1 = vector.load %arg2[%get3A, %get3A_0] : memref<8x128xf32, #tpu.memory_space<vmem>>, vector<1x128xf32>
    %div3A = arith.constant 3.200000e+05 : f32
    %div3A_2 = vector.broadcast %div3A : f32 to vector<1x128xf32>
    %div3A_3 = arith.divf %get3A_1, %div3A_2 : vector<1x128xf32>
    %get3A_4 = arith.constant 1 : index
    %get3A_5 = arith.constant 0 : index
    %get3A_6 = vector.load %arg2[%get3A_4, %get3A_5] : memref<8x128xf32, #tpu.memory_space<vmem>>, vector<1x128xf32>
    %div3A_7 = arith.constant 3.200000e+05 : f32
    %div3A_8 = vector.broadcast %div3A_7 : f32 to vector<1x128xf32>
    %div3A_9 = arith.divf %get3A_6, %div3A_8 : vector<1x128xf32>
    %mul3A = arith.mulf %div3A_3, %div3A_3 : vector<1x128xf32>
    %sub3A = arith.subf %div3A_9, %mul3A : vector<1x128xf32>
    %get3A_10 = arith.constant 0 : index
    %get3A_11 = arith.constant 0 : index
    %get3A_12 = vector.load %arg3[%get3A_10, %get3A_11] : memref<1x128xf32, #tpu.memory_space<vmem>>, vector<1x128xf32>
    %add3A = arith.constant 9.99999974E-6 : f32
    %add3A_13 = vector.broadcast %add3A : f32 to vector<1x128xf32>
    %add3A_14 = arith.addf %sub3A, %add3A_13 : vector<1x128xf32>
    %rsqrt3A = math.rsqrt %add3A_14 : vector<1x128xf32>
    %mul3A_15 = arith.mulf %get3A_12, %rsqrt3A : vector<1x128xf32>
    %get3A_16 = arith.constant 0 : index
    %get3A_17 = arith.constant 0 : index
    %get3A_18 = vector.load %arg1[%get3A_16, %get3A_17] : memref<2560x128xf32, #tpu.memory_space<vmem>>, vector<2560x128xf32>
    %mul3A_19 = vector.broadcast %mul3A_15 : vector<1x128xf32> to vector<2560x128xf32>
    %mul3A_20 = arith.mulf %get3A_18, %mul3A_19 : vector<2560x128xf32>
    %get3A_21 = arith.constant 0 : index
    %get3A_22 = arith.constant 0 : index
    %get3A_23 = vector.load %arg4[%get3A_21, %get3A_22] : memref<1x128xf32, #tpu.memory_space<vmem>>, vector<1x128xf32>
    %mul3A_24 = arith.mulf %div3A_3, %mul3A_15 : vector<1x128xf32>
    %sub3A_25 = arith.subf %get3A_23, %mul3A_24 : vector<1x128xf32>
    %add3A_26 = vector.broadcast %sub3A_25 : vector<1x128xf32> to vector<2560x128xf32>
    %add3A_27 = arith.addf %mul3A_20, %add3A_26 : vector<2560x128xf32>
    %swap3A = arith.constant 0 : index
    %swap3A_28 = arith.constant 0 : index
    %swap3A_29 = vector.load %arg5[%swap3A, %swap3A_28] : memref<2560x128xf32, #tpu.memory_space<vmem>>, vector<2560x128xf32>
    tpu.vector_store %arg5[%swap3A, %swap3A_28], %add3A_27 {strides = array<i32>} : memref<2560x128xf32, #tpu.memory_space<vmem>>, vector<2560x128xf32>,
    return
  }
  func.func @transform_0(%arg0: i32) -> (i32, i32) {
    %c0_i32 = arith.constant 0 : i32
    %c0_i32_0 = arith.constant 0 : i32
    return %arg0, %c0_i32 : i32, i32
  }
  func.func @transform_1(%arg0: i32) -> (i32, i32) {
    %c0_i32 = arith.constant 0 : i32
    %c0_i32_0 = arith.constant 0 : i32
    %c0_i32_1 = arith.constant 0 : i32
    return %c0_i32, %c0_i32_0 : i32, i32
  }
  func.func @transform_2(%arg0: i32) -> (i32, i32) {
    %c0_i32 = arith.constant 0 : i32
    %c0_i32_0 = arith.constant 0 : i32
    %c0_i32_1 = arith.constant 0 : i32
    return %c0_i32, %c0_i32_0 : i32, i32
  }
  func.func @transform_3(%arg0: i32) -> (i32, i32) {
    %c0_i32 = arith.constant 0 : i32
    %c0_i32_0 = arith.constant 0 : i32
    %c0_i32_1 = arith.constant 0 : i32
    return %c0_i32, %c0_i32_0 : i32, i32
  }
  func.func @transform_4(%arg0: i32) -> (i32, i32) {
    %c0_i32 = arith.constant 0 : i32
    %c0_i32_0 = arith.constant 0 : i32
    return %arg0, %c0_i32 : i32, i32
  }
}

</mosaic_0001>

<sc_bundles>
// kernel: kernel.11.cloned.1.call-start
scs
__scs_entry_jumppad:
0x0: {  	(pc) =	sbr.rel $0x88, $3  }
0x1: {  	(tag) =	ssettag $0x0;
	lr =	simm.s32 $0x1  }
0x2: {  	[smem:$0x3F8D] =	sst lr;
	_ =	strace $0xD0000000  }
0x3: {  	_ = 	snop  }
0x4: {  	_ = 	snop  }
0x5: {  	_ = 	snop  }
0x6: {  	_ = 	snop  }
0x7: {  	_ = 	snop  }
__scs_overlays_trampoline_lowered:
0x8: {  	[smem:$0x3F9C] =	sst s0  }
0x9: {  	[smem:$0x3F9D] =	sst s1  }
0xa: {  	[smem:$0x3F9E] =	sst s2  }
0xb: {  	[smem:$0x3F9F] =	sst s3  }
0xc: {  	[smem:$0x3FA0] =	sst s4  }
0xd: {  	[smem:$0x3FA1] =	sst s5  }
0xe: {  	[smem:$0x3FA2] =	sst s6  }
0xf: {  	[smem:$0x3FA3] =	sst s7  }
0x10: {  	[smem:$0x3FA4] =	sst s8  }
0x11: {  	[smem:$0x3FA5] =	sst s9;
	s0 =	simm.s32 @!p0 $0x0  }
0x12: {  	s1 =	sld [smem:$0x3F8B];
	s0 =	simm.s32 @p0 $0x1  }
0x13: {  	[smem:$0x3FA6] =	sst s0;
	s0 =	simm.s32 @!p1 $0x0  }
0x14: {  	s2 =	sld [smem:$0x3F8A];
	s0 =	simm.s32 @p1 $0x1  }
0x15: {  	[smem:$0x3FA7] =	sst s0;
	s0 =	simm.s32 @!p2 $0x0  }
0x16: {  	s3 =	sld [smem:$0x3FDB];
	s0 =	simm.s32 @p2 $0x1  }
0x17: {  	s4 =	simm.s32 $0x1BF5;
	[smem:$0x3FA9] =	sst s0  }
0x18: {  	s0 =	sld [smem:$0x3F8C];
	_ =	swait.ge [sflag:s4], $0x0  }
0x19: {  	s7 =	sld [smem:$0x3F8D]  }
0x1a: {  	s8 =	sadd.s32 $0xFFFFE003, lr  }
0x1b: {  	s9 =	sadd.s32 $0xFFFFFEF7, lr;
	s5 =	simm.s32 $0xFFFFFFFF;
	p2 =	slt.u32 s8, $0xFFFFF086  }
0x1c: {  	p1 =	slt.u32 s9, $0xF7A;
	s5 =	simm.s32 @!p2 $0x0  }
0x1d: {  	s5 =	simm.s32 @p1 $0x1;
	p0 =	seq.s32 s7, s2  }
0x1e: {  	s7 =	smul.u32 @!p0 $0xF7A, s2;
	p2 =	seq.s32 @!p0 s5, $0x0  }
0x1f: {  	s9 =	smul.u32 $0xF7A, s1;
	s8 =	simm.s32 @!p0 $0x1BF5;
	p2 =	por !p2, p0  }
0x20: {  	[sflag:s8] =	ssyncset.s32 @!p0 $0xFFFFF086;
	s6 =	sadd.s32 @!p0 s3, s7;
	s7 =	simm.s32 @!p0 $0x108  }
0x21: {  	s3 =	sadd.s32 s3, s9;
	s6 =	sadd.s32 @!p0 $0x88, s6;
	s7 =	simm.s32 @p2 $0x1082  }
0x22: {  	[simem:s7], [sflag:s8] =	dma.local @!p0 [hbm:s6], $0xF7A  }
0x23: {  	s9 =	sor.u32 $0xD0000000, s2;
	s6 =	simm.s32 $0x108;
	_ =	swait.ge @!p0 [sflag:s8], $0x0  }
0x24: {  	s3 =	sadd.s32 $0x88, s3;
	s6 =	simm.s32 @!p1 $0x1082;
	[sflag:s4] =	ssyncset.s32 $0xFFFFF086  }
0x25: {  	[simem:s6], [sflag:s4] =	dma.local [hbm:s3], $0xF7A  }
0x26: {  	[smem:$0x3F8D] =	sst s1;
	(tag) =	ssettag s2;
	_ =	strace s9  }
0x27: {  	s1 =	sld [smem:$0x3F9D]  }
0x28: {  	s2 =	sld [smem:$0x3F9E]  }
0x29: {  	s4 =	sld [smem:$0x3FA0]  }
0x2a: {  	p0 =	seq.s32 s5, $0x0;
	s5 =	sld [smem:$0x3FA1]  }
0x2b: {  	s6 =	sld [smem:$0x3FA2]  }
0x2c: {  	s7 =	sld [smem:$0x3FA3]  }
0x2d: {  	s3 =	simm.s32 $0x108;
	s8 =	sld [smem:$0x3FA4]  }
0x2e: {  	s3 =	simm.s32 @!p0 $0x1082;
	s9 =	sld [smem:$0x3FA5]  }
0x2f: {  	lr =	sadd.s32 s0, s3;
	s0 =	sld [smem:$0x3F9C]  }
0x30: {  	s3 =	sld [smem:$0x3F9F]  }
0x31: {  	[smem:$0x3FA8] =	sst s10  }
0x32: {  	s10 =	sld [smem:$0x3FA6];
	_ =	sdelay $0x3  }
0x33: {  	p0 =	seq.s32 s10, $0x1;
	s10 =	sld [smem:$0x3FA8];
	_ =	sdelay $0x3  }
0x34: {  	[smem:$0x3FA8] =	sst s10  }
0x35: {  	s10 =	sld [smem:$0x3FA7];
	_ =	sdelay $0x3  }
0x36: {  	p1 =	seq.s32 s10, $0x1;
	s10 =	sld [smem:$0x3FA8];
	_ =	sdelay $0x3  }
0x37: {  	[smem:$0x3FA8] =	sst s10  }
0x38: {  	s10 =	sld [smem:$0x3FA9]  }
0x39: {  	_ = 	snop;
	(pc) =	sbr.ind lr, $3  }
0x3a: {  	_ = 	snop  }
0x3b: {  	_ = 	snop  }
0x3c: {  	p2 =	seq.s32 s10, $0x1;
	s10 =	sld [smem:$0x3FA8]  }
0x3d: {  	_ =	shalt  }
0x3e: {  	_ =	shalt  }
0x3f: {  	_ =	shalt  }
0x40: {  	_ =	shalt  }
0x41: {  	_ =	shalt  }
0x42: {  	_ =	shalt  }
0x43: {  	_ =	shalt  }
0x44: {  	_ =	shalt  }
0x45: {  	_ =	shalt  }
0x46: {  	_ =	shalt  }
0x47: {  	_ =	shalt  }
0x48: {  	_ =	shalt  }
0x49: {  	_ =	shalt  }
0x4a: {  	_ =	shalt  }
0x4b: {  	_ =	shalt  }
0x4c: {  	_ =	shalt  }
0x4d: {  	_ =	shalt  }
0x4e: {  	_ =	shalt  }
0x4f: {  	_ =	shalt  }
0x50: {  	_ =	shalt  }
0x51: {  	_ =	shalt  }
0x52: {  	_ =	shalt  }
0x53: {  	_ =	shalt  }
0x54: {  	_ =	shalt  }
0x55: {  	_ =	shalt  }
0x56: {  	_ =	shalt  }
0x57: {  	_ =	shalt  }
0x58: {  	_ =	shalt  }
0x59: {  	_ =	shalt  }
0x5a: {  	_ =	shalt  }
0x5b: {  	_ =	shalt  }
0x5c: {  	_ =	shalt  }
0x5d: {  	_ =	shalt  }
0x5e: {  	_ =	shalt  }
0x5f: {  	_ =	shalt  }
0x60: {  	_ =	shalt  }
0x61: {  	_ =	shalt  }
0x62: {  	_ =	shalt  }
0x63: {  	_ =	shalt  }
0x64: {  	_ =	shalt  }
0x65: {  	_ =	shalt  }
0x66: {  	_ =	shalt  }
0x67: {  	_ =	shalt  }
0x68: {  	_ =	shalt  }
0x69: {  	_ =	shalt  }
0x6a: {  	_ =	shalt  }
0x6b: {  	_ =	shalt  }
0x6c: {  	_ =	shalt  }
0x6d: {  	_ =	shalt  }
0x6e: {  	_ =	shalt  }
0x6f: {  	_ =	shalt  }
0x70: {  	_ =	shalt  }
0x71: {  	_ =	shalt  }
0x72: {  	_ =	shalt  }
0x73: {  	_ =	shalt  }
0x74: {  	_ =	shalt  }
0x75: {  	_ =	shalt  }
0x76: {  	_ =	shalt  }
0x77: {  	_ =	shalt  }
0x78: {  	_ =	shalt  }
0x79: {  	_ =	shalt  }
0x7a: {  	_ =	shalt  }
0x7b: {  	_ =	shalt  }
0x7c: {  	_ =	shalt  }
0x7d: {  	_ =	shalt  }
0x7e: {  	_ =	shalt  }
0x7f: {  	_ =	shalt  }
0x80: {  	_ =	shalt  }
0x81: {  	_ =	shalt  }
0x82: {  	_ =	shalt  }
0x83: {  	_ =	shalt  }
0x84: {  	_ =	shalt  }
0x85: {  	_ =	shalt  }
0x86: {  	_ =	shalt  }
0x87: {  	_ =	shalt  }
.Lfunc_end0:
.L_simem_size_0:
called_computation.2_lowered:
.L_overlay_start_0:
0x88: {  	s2 =	sld [smem:$0x3FD9]  }
0x89: {  	s3 =	sld [smem:$0x3FFE];
	_ =	sdelay $0x1  }
0x8a: {  	s1 =	srdreg.scid  }
0x8b: {  	s0 =	sand.u32 $0x1, s1  }
0x8c: {  	s17 =	sshll.u32 s0, $0xA;
	s2 =	sadd.s32 s3, s2  }
0x8d: {  	s2 =	sadd.s32 s2, s17  }
0x8e: {  	[smem:$0x3FB4] =	sst s2  }
0x8f: {  	_ = 	snop  }
0x90: {  	s2 =	sld [smem:$0x3FD0];
	(tm) =	ssettm $0x1  }
0x91: {  	s18 =	sld [smem:$0x3FFB];
	_ =	sdelay $0x3  }
0x92: {  	_ =	strace s18  }
0x93: {  	s3 =	sld [smem:$0x3FFC];
	_ =	sdelay $0x3  }
0x94: {  	_ =	strace s3  }
0x95: {  	s3 =	sld [smem:$0x3FFD];
	_ =	sdelay $0x3  }
0x96: {  	_ =	strace s3  }
0x97: {  	_ =	strace $0x8FFFFFFF  }
0x98: {  	s19 =	sld [smem:$0x3FDB];
	_ =	sdelay $0x1  }
0x99: {  	s4 =	simm.s32 $_scs_section_size  }
0x9a: {  	s5 =	simm.s32 $_size__tile_overlayer_lowered;
	s6 =	simm.s32 $_tile_overlayer_lowered  }
0x9b: {  	s22 =	simm.s32 $0x1BFF;
	s21 =	sshll.u32 s6, $0x1;
	s3 =	sadd.s32 s4, s19  }
0x9c: {  	s7 =	simm.s32 $0x0;
	s20 =	sshll.u32 s5, $0x1;
	s5 =	sadd.s32 s21, s3  }
0x9d: {  	[timem:s7], [sflag:s22] =	dma.local [hbm:s5], s20  }
0x9e: {  	_ =	swait.ge [sflag:s22], s20  }
0x9f: {  	s4 =	ssub.s32 $0x0, s20;
	[sflag:s22] =	ssyncset.done $0x0  }
0xa0: {  	[sflag:s22] =	ssyncadd.s32 s4;
	_ =	sdelay $0x1  }
0xa1: {  	s23 =	simm.s32 $0x1B8B  }
0xa2: {  	_ =	swait.ge [sflag:s23], $0x1  }
0xa3: {  	[sflag:s23] =	ssyncset.done $0x0  }
0xa4: {  	s25 =	simm.s32 $0x1B8E;
	s24 =	sld [smem:$0x3FFE];
	[sflag:s23] =	ssyncadd.s32 $0xFFFFFFFF  }
0xa5: {  	s26 =	simm.s32 $execute0_lowered;
	[smem:$0x3FD2] =	sst s25  }
0xa6: {  	s5 =	sshll.u32 s26, $0x1;
	_ =	strace $0x8000004C;
	[dreg:$0x1] =	wrdreg $0xFFFFFFFF  }
0xa7: {  	s28 =	simm.s32 $_size_execute0_lowered;
	s3 =	sadd.s32 s3, s5;
	[dreg:$0x0] =	wrdreg $0x0  }
0xa8: {  	s5 =	sshll.u32 s28, $0x1;
	[dreg:$0x2] =	wrdreg s3  }
0xa9: {  	[dreg:$0x3] =	wrdreg s5  }
0xaa: {  	[dreg:$0x4] =	wrdreg $0xC0  }
0xab: {  	_ =	task [dreg:s7], $0x5FFFF  }
0xac: {  	[dreg:$0x1] =	wrdreg $0xFFFFFFFF  }
0xad: {  	[dreg:$0x0] =	wrdreg $0x60  }
0xae: {  	[dreg:$0x2] =	wrdreg s24  }
0xaf: {  	[dreg:$0x3] =	wrdreg s2  }
0xb0: {  	[dreg:$0x4] =	wrdreg $0x9  }
0xb1: {  	_ =	task.clear_ibuf [dreg:s7], $0x5FFFF;
	_ =	strace $0x9000004C  }
0xb2: {  	s29 =	simm.s32 $0x9;
	_ =	strace $0x8000004E  }
0xb3: {  	_ =	swait.ge [sflag:s29], $0x1  }
0xb4: {  	[sflag:s29] =	ssyncadd.s32 $0xFFFFFFFF  }
0xb5: {  	_ =	strace $0x9000004E  }
0xb6: {  	_ =	sfence  }
0xb7: {  	s30 =	sld [smem:$0x0];
	_ =	sdelay $0x2  }
0xb8: {  	s31 =	sshll.u32 s1, $0xD;
	s1 =	sshrl.u32 s1, $0x2  }
0xb9: {  	s3 =	sand.u32 $0x4000, s31;
	s1 =	sadd.s32 s1, s30  }
0xba: {  	s0 =	sor.u32 s3, s0;
	s1 =	sshll.u32 s1, $0x11  }
0xbb: {  	s0 =	sor.u32 s1, s0  }
0xbc: {  	s0 =	sadd.s32 $0x8F2B, s0  }
0xbd: {  	[sflag:s0] =	ssyncadd.remote.s32 $0x1  }
0xbe: {  	_ =	sfence.sel $0xFFFF  }
0xbf: {  	[dreg:$0x0] =	wrdreg $0xFFFFFFFF;
	(pc) =	sbr.abs _section_cstart, $3  }
0xc0: {  	[dreg:$0x1] =	wrdreg $0xFFFFFFFF  }
0xc1: {  	_ =	task.clear_ibuf [dreg:s7], $0x2FFFF;
	_ =	strace $0x9FFFFFFF  }
0xc2: {  	(tm) =	ssettm $0x7FFFFFFF  }
0xc3: {  	_ =	shalt  }
tec
execute0_lowered:
.L_overlay_start_1:
0x0: {  	(tag) =	ssettag $0x1  }
0x1: {  	s5 =	rddreg [dreg:$0x0]  }
0x2: {  	s6 =	rddreg [dreg:$0x1]  }
0x3: {  	s0 =	rddreg [dreg:$0x2];
	s3 =	srdreg.scid  }
0x4: {  	s1 =	stileid.u32;
	s2 =	simm.s32 $0x0;
	s13 =	simm.s32 $0x80  }
0x5: {  	s14 =	simm.s32 $0x2900;
	s15 =	simm.s32 $0x1;
	s16 =	simm.s32 $0x2  }
0x6: {  	s17 =	simm.s32 $0x0;
	s7 =	sand.u32 $0x1, s3;
	s8 =	smul.u32 $0x4E20, s1  }
0x7: {  	[smem:$0x7FF] =	sst s2;
	s3 =	sadd.s32 $0x17000, s5;
	s29 =	smul.u32 $0x4E200, s1  }
0x8: {  	s4 =	sadd.s32 $0x3E200, s5;
	s9 =	smul.u32 $0x2710, s7;
	s10 =	ssub.s32 $0x2, s7  }
0x9: {  	_ =	strace $0x8000004D;
	s7 =	smul.u32 $0x27100, s7;
	s11 =	sshrl.u32 s10, $0x1  }
0xa: {  	s30 =	sadd.s32 s29, s5;
	s6 =	sadd.s32 s29, s6;
	s8 =	sadd.s32 s9, s8  }
0xb: {  	s31 =	ssub.s32 s10, s11;
	s6 =	sadd.s32 s7, s6;
	s8 =	sshrl.u32 s8, $0x3  }
0xc: {  	s10 =	simm.s32 $0x3;
	s12 =	sadd.s32 s8, s5;
	s8 =	sadd.s32 s7, s30  }
0xd: {  	s11 =	simm.s32 $0x2880;
	s5 =	smax.u32 s31, $0x1;
	s7 =	sadd.s32 $0x65400, s8  }
0xe: {  	s8 =	sadd.s32 $0xD200, s12;
	s9 =	sadd.s32 $0x3400, s12;
	s12 =	simm.s32 $0x50  }
.LBB2_1:
0xf: {  	s18 =	sadd.s32 $0x0, s9  }
0x10: {  	[tilespmem:s2], [sflag:$0x3] =	stream.linear.gather [hbm4b:s18+s2], $0x50, $0x38;
	[tilespmem:$0x5100] =	vst v63  }
0x11: {  	_ =	swait.ge [sflag:s10], $0x50  }
0x12: {  	[sflag:s10] =	ssyncset.done $0x0  }
0x13: {  	s31 =	sadd.s32 $0x0, s8;
	[sflag:s10] =	ssyncadd.s32 $0xFFFFFFB0  }
0x14: {  	[tilespmem:s11], [sflag:$0x3] =	stream.linear.gather [hbm4b:s31+s2], $0x50, $0x38;
	[tilespmem:$0x5100] =	vst v63  }
0x15: {  	_ =	swait.ge [sflag:s10], $0x50  }
0x16: {  	[sflag:s10] =	ssyncset.done $0x0  }
0x17: {  	[sflag:s10] =	ssyncadd.s32 $0xFFFFFFB0  }
0x18: {  	[tilespmem:s13], [sflag:$0x1] =	stream.indirect.gather [hbm4b:s3+s12], $0x80, s2, s12, $0xb8;
	[tilespmem:$0x5100] =	vst v63  }
0x19: {  	_ = 	snop  }
0x1a: {  	[tilespmem:s14], [sflag:$0x2] =	stream.indirect.gather [hbm4b:s4+s12], $0x80, s11, s12, $0xb8;
	[tilespmem:$0x5100] =	vst v63  }
0x1b: {  	_ =	swait.ge [sflag:s15], $0x2800  }
0x1c: {  	[sflag:s15] =	ssyncset.done $0x0  }
0x1d: {  	[sflag:s15] =	ssyncadd.s32 $0xFFFFD800  }
0x1e: {  	_ =	swait.ge [sflag:s16], $0x2800  }
0x1f: {  	[sflag:s16] =	ssyncset.done $0x0  }
0x20: {  	[sflag:s16] =	ssyncadd.s32 $0xFFFFD800  }
0x21: {  	[hbm4b:s6+s2] =	stream.linear.scatter [tilespmem:s13], [sflag:$0x3], $0x2800, $0x38;
	[tilespmem:$0x5100] =	vst v63  }
0x22: {  	_ =	swait.ge [sflag:s10], $0x2800  }
0x23: {  	[sflag:s10] =	ssyncset.done $0x0  }
0x24: {  	[sflag:s10] =	ssyncadd.s32 $0xFFFFD800  }
0x25: {  	[hbm4b:s7+s2] =	stream.linear.scatter [tilespmem:s14], [sflag:$0x3], $0x2800, $0x38;
	[tilespmem:$0x5100] =	vst v63  }
0x26: {  	s20 =	simm.s32 $0xA;
	s21 =	simm.s32 $0x14;
	_ =	swait.ge [sflag:s10], $0x2800  }
0x27: {  	s19 =	sadd.s32 $0x500, s6;
	s18 =	sadd.s32 $0x500, s7;
	[sflag:s10] =	ssyncset.done $0x0  }
.LBB2_2:
0x28: {  	s22 =	sadd.s32 s20, s9  }
0x29: {  	[sflag:s10] =	ssyncadd.s32 $0xFFFFD800;
	s23 =	smov.u32 s21;
	s24 =	sadd.s32 $0xA, s21  }
0x2a: {  	[tilespmem:s2], [sflag:$0x3] =	stream.linear.gather [hbm4b:s22+s2], $0x50, $0x38;
	[tilespmem:$0x5100] =	vst v63  }
0x2b: {  	p0 =	sne.s32 s21, $0x4D8;
	_ =	swait.ge [sflag:s10], $0x50  }
0x2c: {  	[sflag:s10] =	ssyncset.done $0x0  }
0x2d: {  	s21 =	sadd.s32 s20, s8;
	s20 =	smov.u32 s23;
	[sflag:s10] =	ssyncadd.s32 $0xFFFFFFB0  }
0x2e: {  	[tilespmem:s11], [sflag:$0x3] =	stream.linear.gather [hbm4b:s21+s2], $0x50, $0x38;
	[tilespmem:$0x5100] =	vst v63  }
0x2f: {  	_ =	swait.ge [sflag:s10], $0x50  }
0x30: {  	[sflag:s10] =	ssyncset.done $0x0  }
0x31: {  	[sflag:s10] =	ssyncadd.s32 $0xFFFFFFB0  }
0x32: {  	[tilespmem:s13], [sflag:$0x1] =	stream.indirect.gather [hbm4b:s3+s12], $0x80, s2, s12, $0xb8;
	[tilespmem:$0x5100] =	vst v63  }
0x33: {  	_ = 	snop  }
0x34: {  	[tilespmem:s14], [sflag:$0x2] =	stream.indirect.gather [hbm4b:s4+s12], $0x80, s11, s12, $0xb8;
	[tilespmem:$0x5100] =	vst v63  }
0x35: {  	_ =	swait.ge [sflag:s15], $0x2800  }
0x36: {  	[sflag:s15] =	ssyncset.done $0x0  }
0x37: {  	[sflag:s15] =	ssyncadd.s32 $0xFFFFD800  }
0x38: {  	_ =	swait.ge [sflag:s16], $0x2800  }
0x39: {  	[sflag:s16] =	ssyncset.done $0x0  }
0x3a: {  	[sflag:s16] =	ssyncadd.s32 $0xFFFFD800  }
0x3b: {  	[hbm4b:s19+s2] =	stream.linear.scatter [tilespmem:s13], [sflag:$0x3], $0x2800, $0x38;
	[tilespmem:$0x5100] =	vst v63  }
0x3c: {  	_ =	swait.ge [sflag:s10], $0x2800  }
.Ltmp0:
0x3d: {  	[sflag:s10] =	ssyncset.done $0x0;
	(pc) =	sbr.rel @p0 .LBB2_2-.Ltmp0, $4  }
0x3e: {  	[sflag:s10] =	ssyncadd.s32 $0xFFFFD800  }
0x3f: {  	[hbm4b:s18+s2] =	stream.linear.scatter [tilespmem:s14], [sflag:$0x3], $0x2800, $0x38;
	[tilespmem:$0x5100] =	vst v63  }
0x40: {  	s21 =	smov.u32 s24;
	_ =	swait.ge [sflag:s10], $0x2800  }
0x41: {  	s19 =	sadd.s32 $0x500, s19;
	s18 =	sadd.s32 $0x500, s18;
	[sflag:s10] =	ssyncset.done $0x0  }
0x42: {  	s21 =	sadd.s32 s20, s9;
	[sflag:s10] =	ssyncadd.s32 $0xFFFFD800  }
0x43: {  	[tilespmem:s2], [sflag:$0x3] =	stream.linear.gather [hbm4b:s21+s2], $0x50, $0x38;
	[tilespmem:$0x5100] =	vst v63  }
0x44: {  	_ =	swait.ge [sflag:s10], $0x50  }
0x45: {  	[sflag:s10] =	ssyncset.done $0x0  }
0x46: {  	s31 =	sadd.s32 s20, s8;
	[sflag:s10] =	ssyncadd.s32 $0xFFFFFFB0  }
0x47: {  	[tilespmem:s11], [sflag:$0x3] =	stream.linear.gather [hbm4b:s31+s2], $0x50, $0x38;
	[tilespmem:$0x5100] =	vst v63  }
0x48: {  	_ =	swait.ge [sflag:s10], $0x50  }
0x49: {  	[sflag:s10] =	ssyncset.done $0x0  }
0x4a: {  	[sflag:s10] =	ssyncadd.s32 $0xFFFFFFB0  }
0x4b: {  	[tilespmem:s13], [sflag:$0x1] =	stream.indirect.gather [hbm4b:s3+s12], $0x80, s2, s12, $0xb8;
	[tilespmem:$0x5100] =	vst v63  }
0x4c: {  	_ = 	snop  }
0x4d: {  	[tilespmem:s14], [sflag:$0x2] =	stream.indirect.gather [hbm4b:s4+s12], $0x80, s11, s12, $0xb8;
	[tilespmem:$0x5100] =	vst v63  }
0x4e: {  	_ =	swait.ge [sflag:s15], $0x2800  }
0x4f: {  	[sflag:s15] =	ssyncset.done $0x0  }
0x50: {  	[sflag:s15] =	ssyncadd.s32 $0xFFFFD800  }
0x51: {  	_ =	swait.ge [sflag:s16], $0x2800  }
0x52: {  	[sflag:s16] =	ssyncset.done $0x0  }
0x53: {  	[sflag:s16] =	ssyncadd.s32 $0xFFFFD800  }
0x54: {  	[hbm4b:s19+s2] =	stream.linear.scatter [tilespmem:s13], [sflag:$0x3], $0x2800, $0x38;
	[tilespmem:$0x5100] =	vst v63  }
0x55: {  	s17 =	sadd.s32 $0x1, s17;
	_ =	swait.ge [sflag:s10], $0x2800  }
0x56: {  	p0 =	sne.s32 s17, s5;
	[sflag:s10] =	ssyncset.done $0x0  }
.Ltmp1:
0x57: {  	[sflag:s10] =	ssyncadd.s32 $0xFFFFD800;
	(pc) =	sbr.rel @p0 .LBB2_1-.Ltmp1, $4  }
0x58: {  	[hbm4b:s18+s2] =	stream.linear.scatter [tilespmem:s14], [sflag:$0x3], $0x2800, $0x38;
	[tilespmem:$0x5100] =	vst v63  }
0x59: {  	_ =	swait.ge [sflag:s10], $0x2800  }
0x5a: {  	[sflag:s10] =	ssyncset.done $0x0  }
0x5b: {  	[sflag:s10] =	ssyncadd.s32 $0xFFFFD800  }
0x5c: {  	_ =	sfence.sel $0x180000  }
0x5d: {  	[bflag:$0x0] =	sbarrier.arrive $0xFFFF  }
0x5e: {  	p0 =	sne.s32 s1, $0x0;
	_ =	strace $0x9000004D  }
0x5f: {  	s0 =	sadd.s32 @!p0 $0x100000, s0;
	[bflag:$0x2] =	sbarrier.arrive $0xFFFF  }
0x60: {  	[sflag:s0] =	ssyncadd.tile.s32 @!p0 $0x1;
	_ =	shalt  }
.Lfunc_end2:
_tile_overlayer_lowered:
.L_overlay_start_2:
0x61: {  	(tag) =	ssettag $0x2  }
0x62: {  	s0 =	rddreg [dreg:$0x0];
	s2 =	stileid.u32  }
0x63: {  	s1 =	rddreg [dreg:$0x1];
	p0 =	sne.s32 s2, $0x0  }
0x64: {  	s3 =	rddreg [dreg:$0x2];
	[bflag:$0x3] =	sbarrier.arrive $0xFFFF;
	s2 =	simm.s32 @!p0 $0x1C03  }
0x65: {  	[timem:s3], [sflag:s2] =	dma.local @!p0 [hbm:s0], s1  }
0x66: {  	s0 =	simm.s32 @!p0 $0x3  }
0x67: {  	_ =	swait.ge @!p0 [sflag:s0], s1  }
0x68: {  	s1 =	ssub.s32 @!p0 $0x0, s1;
	[sflag:s0] =	ssyncset.done @!p0 $0x0  }
0x69: {  	[sflag:s0] =	ssyncadd.s32 @!p0 s1  }
0x6a: {  	[bflag:$0x3] =	sbarrier.arrive $0xFFFF  }
0x6b: {  	_ =	shalt  }

// kernel: kernel.8.cloned.1.call-start
scs
__scs_entry_jumppad:
0x0: {  	(pc) =	sbr.rel $0x88, $3  }
0x1: {  	(tag) =	ssettag $0x0;
	lr =	simm.s32 $0x1  }
0x2: {  	[smem:$0x3F8D] =	sst lr;
	_ =	strace $0xD0000000  }
0x3: {  	_ = 	snop  }
0x4: {  	_ = 	snop  }
0x5: {  	_ = 	snop  }
0x6: {  	_ = 	snop  }
0x7: {  	_ = 	snop  }
__scs_overlays_trampoline_lowered:
0x8: {  	[smem:$0x3F9C] =	sst s0  }
0x9: {  	[smem:$0x3F9D] =	sst s1  }
0xa: {  	[smem:$0x3F9E] =	sst s2  }
0xb: {  	[smem:$0x3F9F] =	sst s3  }
0xc: {  	[smem:$0x3FA0] =	sst s4  }
0xd: {  	[smem:$0x3FA1] =	sst s5  }
0xe: {  	[smem:$0x3FA2] =	sst s6  }
0xf: {  	[smem:$0x3FA3] =	sst s7  }
0x10: {  	[smem:$0x3FA4] =	sst s8  }
0x11: {  	[smem:$0x3FA5] =	sst s9;
	s0 =	simm.s32 @!p0 $0x0  }
0x12: {  	s1 =	sld [smem:$0x3F8B];
	s0 =	simm.s32 @p0 $0x1  }
0x13: {  	[smem:$0x3FA6] =	sst s0;
	s0 =	simm.s32 @!p1 $0x0  }
0x14: {  	s2 =	sld [smem:$0x3F8A];
	s0 =	simm.s32 @p1 $0x1  }
0x15: {  	[smem:$0x3FA7] =	sst s0;
	s0 =	simm.s32 @!p2 $0x0  }
0x16: {  	s3 =	sld [smem:$0x3FDB];
	s0 =	simm.s32 @p2 $0x1  }
0x17: {  	s4 =	simm.s32 $0x1BF5;
	[smem:$0x3FA9] =	sst s0  }
0x18: {  	s0 =	sld [smem:$0x3F8C];
	_ =	swait.ge [sflag:s4], $0x0  }
0x19: {  	s7 =	sld [smem:$0x3F8D]  }
0x1a: {  	s8 =	sadd.s32 $0xFFFFE003, lr  }
0x1b: {  	s9 =	sadd.s32 $0xFFFFFEF7, lr;
	s5 =	simm.s32 $0xFFFFFFFF;
	p2 =	slt.u32 s8, $0xFFFFF086  }
0x1c: {  	p1 =	slt.u32 s9, $0xF7A;
	s5 =	simm.s32 @!p2 $0x0  }
0x1d: {  	s5 =	simm.s32 @p1 $0x1;
	p0 =	seq.s32 s7, s2  }
0x1e: {  	s7 =	smul.u32 @!p0 $0xF7A, s2;
	p2 =	seq.s32 @!p0 s5, $0x0  }
0x1f: {  	s9 =	smul.u32 $0xF7A, s1;
	s8 =	simm.s32 @!p0 $0x1BF5;
	p2 =	por !p2, p0  }
0x20: {  	[sflag:s8] =	ssyncset.s32 @!p0 $0xFFFFF086;
	s6 =	sadd.s32 @!p0 s3, s7;
	s7 =	simm.s32 @!p0 $0x108  }
0x21: {  	s3 =	sadd.s32 s3, s9;
	s6 =	sadd.s32 @!p0 $0x88, s6;
	s7 =	simm.s32 @p2 $0x1082  }
0x22: {  	[simem:s7], [sflag:s8] =	dma.local @!p0 [hbm:s6], $0xF7A  }
0x23: {  	s9 =	sor.u32 $0xD0000000, s2;
	s6 =	simm.s32 $0x108;
	_ =	swait.ge @!p0 [sflag:s8], $0x0  }
0x24: {  	s3 =	sadd.s32 $0x88, s3;
	s6 =	simm.s32 @!p1 $0x1082;
	[sflag:s4] =	ssyncset.s32 $0xFFFFF086  }
0x25: {  	[simem:s6], [sflag:s4] =	dma.local [hbm:s3], $0xF7A  }
0x26: {  	[smem:$0x3F8D] =	sst s1;
	(tag) =	ssettag s2;
	_ =	strace s9  }
0x27: {  	s1 =	sld [smem:$0x3F9D]  }
0x28: {  	s2 =	sld [smem:$0x3F9E]  }
0x29: {  	s4 =	sld [smem:$0x3FA0]  }
0x2a: {  	p0 =	seq.s32 s5, $0x0;
	s5 =	sld [smem:$0x3FA1]  }
0x2b: {  	s6 =	sld [smem:$0x3FA2]  }
0x2c: {  	s7 =	sld [smem:$0x3FA3]  }
0x2d: {  	s3 =	simm.s32 $0x108;
	s8 =	sld [smem:$0x3FA4]  }
0x2e: {  	s3 =	simm.s32 @!p0 $0x1082;
	s9 =	sld [smem:$0x3FA5]  }
0x2f: {  	lr =	sadd.s32 s0, s3;
	s0 =	sld [smem:$0x3F9C]  }
0x30: {  	s3 =	sld [smem:$0x3F9F]  }
0x31: {  	[smem:$0x3FA8] =	sst s10  }
0x32: {  	s10 =	sld [smem:$0x3FA6];
	_ =	sdelay $0x3  }
0x33: {  	p0 =	seq.s32 s10, $0x1;
	s10 =	sld [smem:$0x3FA8];
	_ =	sdelay $0x3  }
0x34: {  	[smem:$0x3FA8] =	sst s10  }
0x35: {  	s10 =	sld [smem:$0x3FA7];
	_ =	sdelay $0x3  }
0x36: {  	p1 =	seq.s32 s10, $0x1;
	s10 =	sld [smem:$0x3FA8];
	_ =	sdelay $0x3  }
0x37: {  	[smem:$0x3FA8] =	sst s10  }
0x38: {  	s10 =	sld [smem:$0x3FA9]  }
0x39: {  	_ = 	snop;
	(pc) =	sbr.ind lr, $3  }
0x3a: {  	_ = 	snop  }
0x3b: {  	_ = 	snop  }
0x3c: {  	p2 =	seq.s32 s10, $0x1;
	s10 =	sld [smem:$0x3FA8]  }
0x3d: {  	_ =	shalt  }
0x3e: {  	_ =	shalt  }
0x3f: {  	_ =	shalt  }
0x40: {  	_ =	shalt  }
0x41: {  	_ =	shalt  }
0x42: {  	_ =	shalt  }
0x43: {  	_ =	shalt  }
0x44: {  	_ =	shalt  }
0x45: {  	_ =	shalt  }
0x46: {  	_ =	shalt  }
0x47: {  	_ =	shalt  }
0x48: {  	_ =	shalt  }
0x49: {  	_ =	shalt  }
0x4a: {  	_ =	shalt  }
0x4b: {  	_ =	shalt  }
0x4c: {  	_ =	shalt  }
0x4d: {  	_ =	shalt  }
0x4e: {  	_ =	shalt  }
0x4f: {  	_ =	shalt  }
0x50: {  	_ =	shalt  }
0x51: {  	_ =	shalt  }
0x52: {  	_ =	shalt  }
0x53: {  	_ =	shalt  }
0x54: {  	_ =	shalt  }
0x55: {  	_ =	shalt  }
0x56: {  	_ =	shalt  }
0x57: {  	_ =	shalt  }
0x58: {  	_ =	shalt  }
0x59: {  	_ =	shalt  }
0x5a: {  	_ =	shalt  }
0x5b: {  	_ =	shalt  }
0x5c: {  	_ =	shalt  }
0x5d: {  	_ =	shalt  }
0x5e: {  	_ =	shalt  }
0x5f: {  	_ =	shalt  }
0x60: {  	_ =	shalt  }
0x61: {  	_ =	shalt  }
0x62: {  	_ =	shalt  }
0x63: {  	_ =	shalt  }
0x64: {  	_ =	shalt  }
0x65: {  	_ =	shalt  }
0x66: {  	_ =	shalt  }
0x67: {  	_ =	shalt  }
0x68: {  	_ =	shalt  }
0x69: {  	_ =	shalt  }
0x6a: {  	_ =	shalt  }
0x6b: {  	_ =	shalt  }
0x6c: {  	_ =	shalt  }
0x6d: {  	_ =	shalt  }
0x6e: {  	_ =	shalt  }
0x6f: {  	_ =	shalt  }
0x70: {  	_ =	shalt  }
0x71: {  	_ =	shalt  }
0x72: {  	_ =	shalt  }
0x73: {  	_ =	shalt  }
0x74: {  	_ =	shalt  }
0x75: {  	_ =	shalt  }
0x76: {  	_ =	shalt  }
0x77: {  	_ =	shalt  }
0x78: {  	_ =	shalt  }
0x79: {  	_ =	shalt  }
0x7a: {  	_ =	shalt  }
0x7b: {  	_ =	shalt  }
0x7c: {  	_ =	shalt  }
0x7d: {  	_ =	shalt  }
0x7e: {  	_ =	shalt  }
0x7f: {  	_ =	shalt  }
0x80: {  	_ =	shalt  }
0x81: {  	_ =	shalt  }
0x82: {  	_ =	shalt  }
0x83: {  	_ =	shalt  }
0x84: {  	_ =	shalt  }
0x85: {  	_ =	shalt  }
0x86: {  	_ =	shalt  }
0x87: {  	_ =	shalt  }
.Lfunc_end0:
.L_simem_size_0:
called_computation.1_lowered:
.L_overlay_start_0:
0x88: {  	s2 =	sld [smem:$0x3FD9]  }
0x89: {  	s3 =	sld [smem:$0x3FFE];
	_ =	sdelay $0x1  }
0x8a: {  	s1 =	srdreg.scid  }
0x8b: {  	s0 =	sand.u32 $0x1, s1  }
0x8c: {  	s17 =	sshll.u32 s0, $0xA;
	s2 =	sadd.s32 s3, s2  }
0x8d: {  	s2 =	sadd.s32 s2, s17  }
0x8e: {  	[smem:$0x3FB4] =	sst s2  }
0x8f: {  	_ = 	snop  }
0x90: {  	s18 =	sld [smem:$0x3FD0];
	(tm) =	ssettm $0x1  }
0x91: {  	s19 =	sld [smem:$0x3FFB];
	_ =	sdelay $0x3  }
0x92: {  	_ =	strace s19  }
0x93: {  	s2 =	sld [smem:$0x3FFC];
	_ =	sdelay $0x3  }
0x94: {  	_ =	strace s2  }
0x95: {  	s2 =	sld [smem:$0x3FFD];
	_ =	sdelay $0x3  }
0x96: {  	_ =	strace s2  }
0x97: {  	_ =	strace $0x8FFFFFFF  }
0x98: {  	s20 =	sld [smem:$0x3FDB];
	_ =	sdelay $0x1  }
0x99: {  	s4 =	simm.s32 $_scs_section_size  }
0x9a: {  	s5 =	simm.s32 $_size__tile_overlayer_lowered;
	s6 =	simm.s32 $_tile_overlayer_lowered  }
0x9b: {  	s7 =	simm.s32 $0x1BFF;
	s21 =	sshll.u32 s6, $0x1;
	s4 =	sadd.s32 s4, s20  }
0x9c: {  	s22 =	simm.s32 $0x0;
	s5 =	sshll.u32 s5, $0x1;
	s6 =	sadd.s32 s21, s4  }
0x9d: {  	[timem:s22], [sflag:s7] =	dma.local [hbm:s6], s5  }
0x9e: {  	_ =	swait.ge [sflag:s7], s5  }
0x9f: {  	s5 =	ssub.s32 $0x0, s5;
	[sflag:s7] =	ssyncset.done $0x0  }
0xa0: {  	[sflag:s7] =	ssyncadd.s32 s5;
	_ =	sdelay $0x1  }
0xa1: {  	s23 =	simm.s32 $0x1B8B  }
0xa2: {  	_ =	swait.ge [sflag:s23], $0x1  }
0xa3: {  	[sflag:s23] =	ssyncset.done $0x0  }
0xa4: {  	[sflag:s23] =	ssyncadd.s32 $0xFFFFFFFF  }
0xa5: {  	s5 =	sld [smem:$0x0]  }
0xa6: {  	s6 =	sand.u32 $0xFFFFFFFE, s1  }
0xa7: {  	p0 =	sne.s32 s1, s6  }
0xa8: {  	s6 =	sshll.u32 @p0 s6, $0xE  }
0xa9: {  	s6 =	sadd.s32 @p0 $0x11B8D, s6;
	s7 =	sshll.u32 @p0 s5, $0x11  }
0xaa: {  	s6 =	sor.u32 @p0 s7, s6  }
0xab: {  	[sflag:s6] =	ssyncadd.remote.s32 @p0 $0x1;
	_ =	sdelay $0x1  }
0xac: {  	s6 =	simm.s32 @p0 $0x1B8D  }
0xad: {  	_ =	swait.eq @p0 [sflag:s6], $0x1  }
0xae: {  	[sflag:s6] =	ssyncadd.s32 @p0 $0xFFFFFFFF  }
0xaf: {  	s7 =	sshll.u32 @!p0 s1, $0xE  }
0xb0: {  	s7 =	sor.u32 @!p0 $0x4000, s7;
	s6 =	simm.s32 @!p0 $0x1B8D  }
0xb1: {  	s5 =	sshll.u32 @!p0 s5, $0x11;
	s7 =	sadd.s32 @!p0 $0x11B8D, s7;
	_ =	swait.eq @!p0 [sflag:s6], $0x1  }
0xb2: {  	s5 =	sor.u32 @!p0 s5, s7;
	[sflag:s6] =	ssyncadd.s32 @!p0 $0xFFFFFFFF  }
0xb3: {  	s25 =	simm.s32 $0x1B8E;
	s24 =	sld [smem:$0x3FFE];
	[sflag:s5] =	ssyncadd.remote.s32 @!p0 $0x1  }
0xb4: {  	s26 =	simm.s32 $execute0_lowered;
	[smem:$0x3FD2] =	sst s25  }
0xb5: {  	s6 =	sshll.u32 s26, $0x1;
	_ =	strace $0x80000049;
	[dreg:$0x1] =	wrdreg $0xFFFFFFFF  }
0xb6: {  	s28 =	simm.s32 $_size_execute0_lowered;
	s4 =	sadd.s32 s4, s6;
	[dreg:$0x0] =	wrdreg $0x0  }
0xb7: {  	s6 =	sshll.u32 s28, $0x1;
	[dreg:$0x2] =	wrdreg s4  }
0xb8: {  	[dreg:$0x3] =	wrdreg s6  }
0xb9: {  	[dreg:$0x4] =	wrdreg $0xC0  }
0xba: {  	_ =	task [dreg:s22], $0x5FFFF  }
0xbb: {  	[dreg:$0x1] =	wrdreg $0xFFFFFFFF  }
0xbc: {  	[dreg:$0x0] =	wrdreg $0x60  }
0xbd: {  	[dreg:$0x2] =	wrdreg s18  }
0xbe: {  	[dreg:$0x3] =	wrdreg s24  }
0xbf: {  	[dreg:$0x4] =	wrdreg $0xE4800  }
0xc0: {  	[dreg:$0x5] =	wrdreg $0xA  }
0xc1: {  	_ =	task.clear_ibuf [dreg:s22], $0x6FFFF;
	_ =	strace $0x90000049  }
0xc2: {  	s29 =	simm.s32 $0xA;
	_ =	strace $0x8000004B  }
0xc3: {  	_ =	swait.ge [sflag:s29], $0x1  }
0xc4: {  	[sflag:s29] =	ssyncadd.s32 $0xFFFFFFFF  }
0xc5: {  	_ =	strace $0x9000004B  }
0xc6: {  	_ =	sfence  }
0xc7: {  	s30 =	sld [smem:$0x0];
	_ =	sdelay $0x2  }
0xc8: {  	s31 =	sshll.u32 s1, $0xD;
	s1 =	sshrl.u32 s1, $0x2  }
0xc9: {  	s4 =	sand.u32 $0x4000, s31;
	s1 =	sadd.s32 s1, s30  }
0xca: {  	s0 =	sor.u32 s4, s0;
	s1 =	sshll.u32 s1, $0x11  }
0xcb: {  	s0 =	sor.u32 s1, s0  }
0xcc: {  	s0 =	sadd.s32 $0x8F2B, s0  }
0xcd: {  	[sflag:s0] =	ssyncadd.remote.s32 $0x1  }
0xce: {  	_ =	sfence.sel $0xFFFF  }
0xcf: {  	[dreg:$0x0] =	wrdreg $0xFFFFFFFF;
	(pc) =	sbr.abs _section_cstart, $3  }
0xd0: {  	[dreg:$0x1] =	wrdreg $0xFFFFFFFF  }
0xd1: {  	_ =	task.clear_ibuf [dreg:s22], $0x2FFFF;
	_ =	strace $0x9FFFFFFF  }
0xd2: {  	(tm) =	ssettm $0x7FFFFFFF  }
0xd3: {  	_ =	shalt  }
tec
execute0_lowered:
.L_overlay_start_1:
0x0: {  	(tag) =	ssettag $0x1  }
0x1: {  	s10 =	rddreg [dreg:$0x0]  }
0x2: {  	s5 =	rddreg [dreg:$0x1];
	s0 =	srdreg.scid  }
0x3: {  	s2 =	rddreg [dreg:$0x2];
	s1 =	stileid.u32  }
0x4: {  	s3 =	simm.s32 $0x0;
	s14 =	simm.s32 $0x4000;
	s15 =	simm.s32 $0x800  }
0x5: {  	s16 =	simm.s32 $0x1000;
	s17 =	simm.s32 $0x1800;
	s18 =	simm.s32 $0x2000  }
0x6: {  	s19 =	simm.s32 $0x2800;
	s21 =	simm.s32 $0x3800;
	s22 =	simm.s32 $0x0  }
0x7: {  	s6 =	sand.u32 $0x1, s0;
	s0 =	rddreg [dreg:$0x3];
	s7 =	smul.u32 $0xA000, s1  }
0x8: {  	[smem:$0x7FF] =	sst s3;
	s8 =	sshll.u32 s1, $0x4;
	s26 =	smul.u32 $0x29000, s1  }
0x9: {  	s12 =	smul.u32 $0x28000, s1;
	p0 =	slt.u32 s1, $0x4;
	s31 =	sshll.u32 s1, $0xB  }
0xa: {  	s4 =	smul.u32 $0xA0000, s6;
	_ =	strace $0x8000004A;
	s11 =	sadd.s32 s8, s5  }
0xb: {  	s28 =	ssub.s32 $0x2, s6;
	s20 =	smul.u32 $0x1400, s6;
	s6 =	simm.s32 $0x9D  }
0xc: {  	s10 =	sadd.s32 s31, s10;
	s29 =	sshrl.u32 s28, $0x1;
	s8 =	sshrl.u32 s26, $0x2  }
0xd: {  	s30 =	sshrl.u32 s12, $0x2;
	s6 =	simm.s32 @!p0 $0x9C;
	s11 =	sadd.s32 $0xD200, s11  }
0xe: {  	s12 =	simm.s32 $0x4080;
	s4 =	sadd.s32 s7, s4;
	s13 =	ssub.s32 s28, s29  }
0xf: {  	v0 =	vmov s20;
	s20 =	simm.s32 $0x3000;
	s7 =	sshrl.u32 s4, $0x3;
	s4 =	sadd.s32 $0x2B400, s5  }
0x10: {  	v1 =	vlaneseq.u32;
	s9 =	sadd.s32 s7, s5;
	s5 =	sadd.s32 s8, s2;
	s7 =	sadd.s32 s30, s2  }
0x11: {  	vm0 =	vmmov $0xffff;
	v1 =	vor.u32 $0x1400, v1;
	s8 =	sadd.s32 $0x2CA00, s9;
	s9 =	smax.u32 s13, $0x1;
	s13 =	simm.s32 $0x1  }
.LBB2_1:
0x12: {  	[tilespmem:s12], [sflag:$0x1] =	stream.linear.gather [hbm4b:s4+s3], $0xA400, $0x38;
	[tilespmem:$0x18880] =	vst v63  }
0x13: {  	_ =	swait.ge [sflag:s13], $0xA400  }
0x14: {  	[sflag:s13] =	ssyncset.done $0x0  }
0x15: {  	[sflag:s13] =	ssyncadd.s32 $0xFFFF5C00  }
0x16: {  	[spmem:s5] =	stream.linear.scatter [tilespmem:s12], [sflag:$0x1], $0xA400, $0x38;
	[tilespmem:$0x18880] =	vst v63  }
0x17: {  	_ =	swait.ge [sflag:s13], $0xA400  }
0x18: {  	[sflag:s13] =	ssyncset.done $0x0  }
0x19: {  	s23 =	smov.u32 s11;
	[sflag:s13] =	ssyncadd.s32 $0xFFFF5C00  }
0x1a: {  	s24 =	smov.u32 s10;
	s25 =	smov.u32 s6;
	[bflag:$0x0] =	sbarrier.arrive $0xFFFF  }
.LBB2_2:
0x1b: {  	[tilespmem:s14], [sflag:$0x1] =	stream.linear.gather [hbm4b:s23+s3], $0x80, $0x38;
	[tilespmem:$0x18880] =	vst v63  }
0x1c: {  	_ =	swait.ge [sflag:s13], $0x80  }
0x1d: {  	[sflag:s13] =	ssyncset.done $0x0  }
0x1e: {  	[sflag:s13] =	ssyncadd.s32 $0xFFFFFF80  }
0x1f: {  	[tilespmem:s3], [sflag:$0x1] =	stream.linear.gather [hbm4b:s24+s3], $0x4000, $0x38;
	[tilespmem:$0x18880] =	vst v63  }
0x20: {  	_ =	swait.ge [sflag:s13], $0x4000  }
0x21: {  	[sflag:s13] =	ssyncset.done $0x0  }
0x22: {  	[sflag:s13] =	ssyncadd.s32 $0xFFFFC000  }
0x23: {  	v2 =	vld [tilespmem:$0x4000];
	_ =	sdelay $0x4  }
0x24: {  	v2 =	vsub.s32 v2, v0  }
0x25: {  	vm1 =	vlt.u32 v2, $0x1400  }
0x26: {  	v2 =	vsel vm1, v2, v1;
	_ =	sdelay $0x4  }
0x27: {  	[spmem:s2] =	stream.indirect_vreg.scatter.add.f32 [tilespmem:s3], [sflag:$0x1], $0x80, v2, vm0, $0xb8;
	[tilespmem:$0x18880] =	vst v63  }
0x28: {  	_ =	swait.ge [sflag:s13], $0x800  }
0x29: {  	[sflag:s13] =	ssyncset.done $0x0  }
0x2a: {  	[sflag:s13] =	ssyncadd.s32 $0xFFFFF800  }
0x2b: {  	v2 =	vld [tilespmem:$0x4010];
	_ =	sdelay $0x4  }
0x2c: {  	v2 =	vsub.s32 v2, v0  }
0x2d: {  	vm1 =	vlt.u32 v2, $0x1400  }
0x2e: {  	v2 =	vsel vm1, v2, v1;
	_ =	sdelay $0x4  }
0x2f: {  	[spmem:s2] =	stream.indirect_vreg.scatter.add.f32 [tilespmem:s15], [sflag:$0x1], $0x80, v2, vm0, $0xb8;
	[tilespmem:$0x18880] =	vst v63  }
0x30: {  	_ =	swait.ge [sflag:s13], $0x800  }
0x31: {  	[sflag:s13] =	ssyncset.done $0x0  }
0x32: {  	[sflag:s13] =	ssyncadd.s32 $0xFFFFF800  }
0x33: {  	v2 =	vld [tilespmem:$0x4020];
	_ =	sdelay $0x4  }
0x34: {  	v2 =	vsub.s32 v2, v0  }
0x35: {  	vm1 =	vlt.u32 v2, $0x1400  }
0x36: {  	v2 =	vsel vm1, v2, v1;
	_ =	sdelay $0x4  }
0x37: {  	[spmem:s2] =	stream.indirect_vreg.scatter.add.f32 [tilespmem:s16], [sflag:$0x1], $0x80, v2, vm0, $0xb8;
	[tilespmem:$0x18880] =	vst v63  }
0x38: {  	_ =	swait.ge [sflag:s13], $0x800  }
0x39: {  	[sflag:s13] =	ssyncset.done $0x0  }
0x3a: {  	[sflag:s13] =	ssyncadd.s32 $0xFFFFF800  }
0x3b: {  	v2 =	vld [tilespmem:$0x4030];
	_ =	sdelay $0x4  }
0x3c: {  	v2 =	vsub.s32 v2, v0  }
0x3d: {  	vm1 =	vlt.u32 v2, $0x1400  }
0x3e: {  	v2 =	vsel vm1, v2, v1;
	_ =	sdelay $0x4  }
0x3f: {  	[spmem:s2] =	stream.indirect_vreg.scatter.add.f32 [tilespmem:s17], [sflag:$0x1], $0x80, v2, vm0, $0xb8;
	[tilespmem:$0x18880] =	vst v63  }
0x40: {  	_ =	swait.ge [sflag:s13], $0x800  }
0x41: {  	[sflag:s13] =	ssyncset.done $0x0  }
0x42: {  	[sflag:s13] =	ssyncadd.s32 $0xFFFFF800  }
0x43: {  	v2 =	vld [tilespmem:$0x4040];
	_ =	sdelay $0x4  }
0x44: {  	v2 =	vsub.s32 v2, v0  }
0x45: {  	vm1 =	vlt.u32 v2, $0x1400  }
0x46: {  	v2 =	vsel vm1, v2, v1;
	_ =	sdelay $0x4  }
0x47: {  	[spmem:s2] =	stream.indirect_vreg.scatter.add.f32 [tilespmem:s18], [sflag:$0x1], $0x80, v2, vm0, $0xb8;
	[tilespmem:$0x18880] =	vst v63  }
0x48: {  	_ =	swait.ge [sflag:s13], $0x800  }
0x49: {  	[sflag:s13] =	ssyncset.done $0x0  }
0x4a: {  	[sflag:s13] =	ssyncadd.s32 $0xFFFFF800  }
0x4b: {  	v2 =	vld [tilespmem:$0x4050];
	_ =	sdelay $0x4  }
0x4c: {  	v2 =	vsub.s32 v2, v0  }
0x4d: {  	vm1 =	vlt.u32 v2, $0x1400  }
0x4e: {  	v2 =	vsel vm1, v2, v1;
	_ =	sdelay $0x4  }
0x4f: {  	[spmem:s2] =	stream.indirect_vreg.scatter.add.f32 [tilespmem:s19], [sflag:$0x1], $0x80, v2, vm0, $0xb8;
	[tilespmem:$0x18880] =	vst v63  }
0x50: {  	_ =	swait.ge [sflag:s13], $0x800  }
0x51: {  	[sflag:s13] =	ssyncset.done $0x0  }
0x52: {  	[sflag:s13] =	ssyncadd.s32 $0xFFFFF800  }
0x53: {  	v2 =	vld [tilespmem:$0x4060];
	_ =	sdelay $0x4  }
0x54: {  	v2 =	vsub.s32 v2, v0  }
0x55: {  	vm1 =	vlt.u32 v2, $0x1400  }
0x56: {  	v2 =	vsel vm1, v2, v1;
	_ =	sdelay $0x4  }
0x57: {  	[spmem:s2] =	stream.indirect_vreg.scatter.add.f32 [tilespmem:s20], [sflag:$0x1], $0x80, v2, vm0, $0xb8;
	[tilespmem:$0x18880] =	vst v63  }
0x58: {  	_ =	swait.ge [sflag:s13], $0x800  }
0x59: {  	[sflag:s13] =	ssyncset.done $0x0  }
0x5a: {  	[sflag:s13] =	ssyncadd.s32 $0xFFFFF800  }
0x5b: {  	v2 =	vld [tilespmem:$0x4070];
	_ =	sdelay $0x4  }
0x5c: {  	v2 =	vsub.s32 v2, v0  }
0x5d: {  	vm1 =	vlt.u32 v2, $0x1400  }
0x5e: {  	v2 =	vsel vm1, v2, v1;
	_ =	sdelay $0x2  }
0x5f: {  	p0 =	sne.s32 s25, $0x1  }
.Ltmp0:
0x60: {  	_ = 	snop;
	(pc) =	sbr.rel @p0 .LBB2_2-.Ltmp0, $4  }
0x61: {  	[spmem:s2] =	stream.indirect_vreg.scatter.add.f32 [tilespmem:s21], [sflag:$0x1], $0x80, v2, vm0, $0xb8;
	[tilespmem:$0x18880] =	vst v63  }
0x62: {  	_ =	swait.ge [sflag:s13], $0x800  }
0x63: {  	s23 =	sadd.s32 $0x100, s23;
	[sflag:s13] =	ssyncset.done $0x0  }
0x64: {  	s25 =	sadd.s32 $0xFFFFFFFF, s25;
	s24 =	sadd.s32 $0x8000, s24;
	[sflag:s13] =	ssyncadd.s32 $0xFFFFF800  }
0x65: {  	[bflag:$0x0] =	sbarrier.arrive $0xFFFF  }
0x66: {  	[tilespmem:s12], [sflag:$0x1] =	stream.linear.gather [spmem:s7], $0xA000, $0x38;
	[tilespmem:$0x18880] =	vst v63  }
0x67: {  	s22 =	sadd.s32 $0x1, s22;
	_ =	swait.ge [sflag:s13], $0xA000  }
0x68: {  	p0 =	sne.s32 s22, s9;
	[sflag:s13] =	ssyncset.done $0x0  }
.Ltmp1:
0x69: {  	[sflag:s13] =	ssyncadd.s32 $0xFFFF6000;
	(pc) =	sbr.rel @p0 .LBB2_1-.Ltmp1, $4  }
0x6a: {  	[hbm4b:s8+s3] =	stream.linear.scatter [tilespmem:s12], [sflag:$0x1], $0xA000, $0x38;
	[tilespmem:$0x18880] =	vst v63  }
0x6b: {  	_ =	swait.ge [sflag:s13], $0xA000  }
0x6c: {  	[sflag:s13] =	ssyncset.done $0x0  }
0x6d: {  	[sflag:s13] =	ssyncadd.s32 $0xFFFF6000  }
0x6e: {  	_ =	sfence.sel $0x180000  }
0x6f: {  	[bflag:$0x0] =	sbarrier.arrive $0xFFFF  }
0x70: {  	p0 =	sne.s32 s1, $0x0;
	_ =	strace $0x9000004A  }
0x71: {  	s0 =	sadd.s32 @!p0 $0x100000, s0;
	[bflag:$0x2] =	sbarrier.arrive $0xFFFF  }
0x72: {  	[sflag:s0] =	ssyncadd.tile.s32 @!p0 $0x1;
	_ =	shalt  }
.Lfunc_end2:
_tile_overlayer_lowered:
.L_overlay_start_2:
0x73: {  	(tag) =	ssettag $0x2  }
0x74: {  	s0 =	rddreg [dreg:$0x0];
	s2 =	stileid.u32  }
0x75: {  	s1 =	rddreg [dreg:$0x1];
	p0 =	sne.s32 s2, $0x0  }
0x76: {  	s3 =	rddreg [dreg:$0x2];
	[bflag:$0x3] =	sbarrier.arrive $0xFFFF;
	s2 =	simm.s32 @!p0 $0x1C01  }
0x77: {  	[timem:s3], [sflag:s2] =	dma.local @!p0 [hbm:s0], s1  }
0x78: {  	s0 =	simm.s32 @!p0 $0x1  }
0x79: {  	_ =	swait.ge @!p0 [sflag:s0], s1  }
0x7a: {  	s1 =	ssub.s32 @!p0 $0x0, s1;
	[sflag:s0] =	ssyncset.done @!p0 $0x0  }
0x7b: {  	[sflag:s0] =	ssyncadd.s32 @!p0 s1  }
0x7c: {  	[bflag:$0x3] =	sbarrier.arrive $0xFFFF  }
0x7d: {  	_ =	shalt  }

// kernel: scatter_offload_async_start
scs
__scs_entry_jumppad:
0x0: {  	(pc) =	sbr.rel $0x88, $3  }
0x1: {  	(tag) =	ssettag $0x0;
	lr =	simm.s32 $0x1  }
0x2: {  	[smem:$0x3F8D] =	sst lr;
	_ =	strace $0xD0000000  }
0x3: {  	_ = 	snop  }
0x4: {  	_ = 	snop  }
0x5: {  	_ = 	snop  }
0x6: {  	_ = 	snop  }
0x7: {  	_ = 	snop  }
__scs_overlays_trampoline_lowered:
0x8: {  	[smem:$0x3F9C] =	sst s0  }
0x9: {  	[smem:$0x3F9D] =	sst s1  }
0xa: {  	[smem:$0x3F9E] =	sst s2  }
0xb: {  	[smem:$0x3F9F] =	sst s3  }
0xc: {  	[smem:$0x3FA0] =	sst s4  }
0xd: {  	[smem:$0x3FA1] =	sst s5  }
0xe: {  	[smem:$0x3FA2] =	sst s6  }
0xf: {  	[smem:$0x3FA3] =	sst s7  }
0x10: {  	[smem:$0x3FA4] =	sst s8  }
0x11: {  	[smem:$0x3FA5] =	sst s9;
	s0 =	simm.s32 @!p0 $0x0  }
0x12: {  	s1 =	sld [smem:$0x3F8B];
	s0 =	simm.s32 @p0 $0x1  }
0x13: {  	[smem:$0x3FA6] =	sst s0;
	s0 =	simm.s32 @!p1 $0x0  }
0x14: {  	s2 =	sld [smem:$0x3F8A];
	s0 =	simm.s32 @p1 $0x1  }
0x15: {  	[smem:$0x3FA7] =	sst s0;
	s0 =	simm.s32 @!p2 $0x0  }
0x16: {  	s3 =	sld [smem:$0x3FDB];
	s0 =	simm.s32 @p2 $0x1  }
0x17: {  	s4 =	simm.s32 $0x1BF5;
	[smem:$0x3FA9] =	sst s0  }
0x18: {  	s0 =	sld [smem:$0x3F8C];
	_ =	swait.ge [sflag:s4], $0x0  }
0x19: {  	s7 =	sld [smem:$0x3F8D]  }
0x1a: {  	s8 =	sadd.s32 $0xFFFFE003, lr  }
0x1b: {  	s9 =	sadd.s32 $0xFFFFFEF7, lr;
	s5 =	simm.s32 $0xFFFFFFFF;
	p2 =	slt.u32 s8, $0xFFFFF086  }
0x1c: {  	p1 =	slt.u32 s9, $0xF7A;
	s5 =	simm.s32 @!p2 $0x0  }
0x1d: {  	s5 =	simm.s32 @p1 $0x1;
	p0 =	seq.s32 s7, s2  }
0x1e: {  	s7 =	smul.u32 @!p0 $0xF7A, s2;
	p2 =	seq.s32 @!p0 s5, $0x0  }
0x1f: {  	s9 =	smul.u32 $0xF7A, s1;
	s8 =	simm.s32 @!p0 $0x1BF5;
	p2 =	por !p2, p0  }
0x20: {  	[sflag:s8] =	ssyncset.s32 @!p0 $0xFFFFF086;
	s6 =	sadd.s32 @!p0 s3, s7;
	s7 =	simm.s32 @!p0 $0x108  }
0x21: {  	s3 =	sadd.s32 s3, s9;
	s6 =	sadd.s32 @!p0 $0x88, s6;
	s7 =	simm.s32 @p2 $0x1082  }
0x22: {  	[simem:s7], [sflag:s8] =	dma.local @!p0 [hbm:s6], $0xF7A  }
0x23: {  	s9 =	sor.u32 $0xD0000000, s2;
	s6 =	simm.s32 $0x108;
	_ =	swait.ge @!p0 [sflag:s8], $0x0  }
0x24: {  	s3 =	sadd.s32 $0x88, s3;
	s6 =	simm.s32 @!p1 $0x1082;
	[sflag:s4] =	ssyncset.s32 $0xFFFFF086  }
0x25: {  	[simem:s6], [sflag:s4] =	dma.local [hbm:s3], $0xF7A  }
0x26: {  	[smem:$0x3F8D] =	sst s1;
	(tag) =	ssettag s2;
	_ =	strace s9  }
0x27: {  	s1 =	sld [smem:$0x3F9D]  }
0x28: {  	s2 =	sld [smem:$0x3F9E]  }
0x29: {  	s4 =	sld [smem:$0x3FA0]  }
0x2a: {  	p0 =	seq.s32 s5, $0x0;
	s5 =	sld [smem:$0x3FA1]  }
0x2b: {  	s6 =	sld [smem:$0x3FA2]  }
0x2c: {  	s7 =	sld [smem:$0x3FA3]  }
0x2d: {  	s3 =	simm.s32 $0x108;
	s8 =	sld [smem:$0x3FA4]  }
0x2e: {  	s3 =	simm.s32 @!p0 $0x1082;
	s9 =	sld [smem:$0x3FA5]  }
0x2f: {  	lr =	sadd.s32 s0, s3;
	s0 =	sld [smem:$0x3F9C]  }
0x30: {  	s3 =	sld [smem:$0x3F9F]  }
0x31: {  	[smem:$0x3FA8] =	sst s10  }
0x32: {  	s10 =	sld [smem:$0x3FA6];
	_ =	sdelay $0x3  }
0x33: {  	p0 =	seq.s32 s10, $0x1;
	s10 =	sld [smem:$0x3FA8];
	_ =	sdelay $0x3  }
0x34: {  	[smem:$0x3FA8] =	sst s10  }
0x35: {  	s10 =	sld [smem:$0x3FA7];
	_ =	sdelay $0x3  }
0x36: {  	p1 =	seq.s32 s10, $0x1;
	s10 =	sld [smem:$0x3FA8];
	_ =	sdelay $0x3  }
0x37: {  	[smem:$0x3FA8] =	sst s10  }
0x38: {  	s10 =	sld [smem:$0x3FA9]  }
0x39: {  	_ = 	snop;
	(pc) =	sbr.ind lr, $3  }
0x3a: {  	_ = 	snop  }
0x3b: {  	_ = 	snop  }
0x3c: {  	p2 =	seq.s32 s10, $0x1;
	s10 =	sld [smem:$0x3FA8]  }
0x3d: {  	_ =	shalt  }
0x3e: {  	_ =	shalt  }
0x3f: {  	_ =	shalt  }
0x40: {  	_ =	shalt  }
0x41: {  	_ =	shalt  }
0x42: {  	_ =	shalt  }
0x43: {  	_ =	shalt  }
0x44: {  	_ =	shalt  }
0x45: {  	_ =	shalt  }
0x46: {  	_ =	shalt  }
0x47: {  	_ =	shalt  }
0x48: {  	_ =	shalt  }
0x49: {  	_ =	shalt  }
0x4a: {  	_ =	shalt  }
0x4b: {  	_ =	shalt  }
0x4c: {  	_ =	shalt  }
0x4d: {  	_ =	shalt  }
0x4e: {  	_ =	shalt  }
0x4f: {  	_ =	shalt  }
0x50: {  	_ =	shalt  }
0x51: {  	_ =	shalt  }
0x52: {  	_ =	shalt  }
0x53: {  	_ =	shalt  }
0x54: {  	_ =	shalt  }
0x55: {  	_ =	shalt  }
0x56: {  	_ =	shalt  }
0x57: {  	_ =	shalt  }
0x58: {  	_ =	shalt  }
0x59: {  	_ =	shalt  }
0x5a: {  	_ =	shalt  }
0x5b: {  	_ =	shalt  }
0x5c: {  	_ =	shalt  }
0x5d: {  	_ =	shalt  }
0x5e: {  	_ =	shalt  }
0x5f: {  	_ =	shalt  }
0x60: {  	_ =	shalt  }
0x61: {  	_ =	shalt  }
0x62: {  	_ =	shalt  }
0x63: {  	_ =	shalt  }
0x64: {  	_ =	shalt  }
0x65: {  	_ =	shalt  }
0x66: {  	_ =	shalt  }
0x67: {  	_ =	shalt  }
0x68: {  	_ =	shalt  }
0x69: {  	_ =	shalt  }
0x6a: {  	_ =	shalt  }
0x6b: {  	_ =	shalt  }
0x6c: {  	_ =	shalt  }
0x6d: {  	_ =	shalt  }
0x6e: {  	_ =	shalt  }
0x6f: {  	_ =	shalt  }
0x70: {  	_ =	shalt  }
0x71: {  	_ =	shalt  }
0x72: {  	_ =	shalt  }
0x73: {  	_ =	shalt  }
0x74: {  	_ =	shalt  }
0x75: {  	_ =	shalt  }
0x76: {  	_ =	shalt  }
0x77: {  	_ =	shalt  }
0x78: {  	_ =	shalt  }
0x79: {  	_ =	shalt  }
0x7a: {  	_ =	shalt  }
0x7b: {  	_ =	shalt  }
0x7c: {  	_ =	shalt  }
0x7d: {  	_ =	shalt  }
0x7e: {  	_ =	shalt  }
0x7f: {  	_ =	shalt  }
0x80: {  	_ =	shalt  }
0x81: {  	_ =	shalt  }
0x82: {  	_ =	shalt  }
0x83: {  	_ =	shalt  }
0x84: {  	_ =	shalt  }
0x85: {  	_ =	shalt  }
0x86: {  	_ =	shalt  }
0x87: {  	_ =	shalt  }
.Lfunc_end0:
.L_simem_size_0:
called_computation_lowered:
.L_overlay_start_0:
0x88: {  	s0 =	sld [smem:$0x3FD9]  }
0x89: {  	s1 =	sld [smem:$0x3FFE];
	_ =	sdelay $0x3  }
0x8a: {  	s0 =	sadd.s32 s1, s0  }
0x8b: {  	[smem:$0x3FB4] =	sst s0  }
0x8c: {  	_ = 	snop  }
0x8d: {  	(tm) =	ssettm $0x1  }
0x8e: {  	s15 =	sld [smem:$0x3FFB];
	_ =	sdelay $0x3  }
0x8f: {  	_ =	strace s15  }
0x90: {  	s0 =	sld [smem:$0x3FFC];
	_ =	sdelay $0x3  }
0x91: {  	_ =	strace s0  }
0x92: {  	s0 =	sld [smem:$0x3FFD];
	_ =	sdelay $0x3  }
0x93: {  	_ =	strace s0  }
0x94: {  	_ =	strace $0x8FFFFFFF  }
0x95: {  	s16 =	sld [smem:$0x3FDB];
	_ =	sdelay $0x1  }
0x96: {  	s17 =	simm.s32 $_scs_section_size  }
0x97: {  	s2 =	simm.s32 $_size__tile_overlayer_lowered;
	s3 =	simm.s32 $_tile_overlayer_lowered  }
0x98: {  	s20 =	simm.s32 $0x1BFF;
	s19 =	sshll.u32 s3, $0x1;
	s0 =	sadd.s32 s17, s16  }
0x99: {  	s4 =	simm.s32 $0x0;
	s18 =	sshll.u32 s2, $0x1;
	s2 =	sadd.s32 s19, s0  }
0x9a: {  	[timem:s4], [sflag:s20] =	dma.local [hbm:s2], s18  }
0x9b: {  	_ =	swait.ge [sflag:s20], s18  }
0x9c: {  	s1 =	ssub.s32 $0x0, s18;
	[sflag:s20] =	ssyncset.done $0x0  }
0x9d: {  	[sflag:s20] =	ssyncadd.s32 s1;
	_ =	sdelay $0x1  }
0x9e: {  	s21 =	simm.s32 $0x1B8B  }
0x9f: {  	_ =	swait.ge [sflag:s21], $0x1  }
0xa0: {  	[sflag:s21] =	ssyncset.done $0x0  }
0xa1: {  	s23 =	simm.s32 $0x1B8E;
	s22 =	sld [smem:$0x3FFE];
	[sflag:s21] =	ssyncadd.s32 $0xFFFFFFFF  }
0xa2: {  	s24 =	simm.s32 $execute0_lowered;
	[smem:$0x3FD2] =	sst s23  }
0xa3: {  	s2 =	sshll.u32 s24, $0x1;
	_ =	strace $0x80000046;
	[dreg:$0x1] =	wrdreg $0xFFFFFFFF  }
0xa4: {  	s25 =	simm.s32 $_size_execute0_lowered;
	s0 =	sadd.s32 s0, s2;
	[dreg:$0x0] =	wrdreg $0x0  }
0xa5: {  	s2 =	sshll.u32 s25, $0x1;
	[dreg:$0x2] =	wrdreg s0  }
0xa6: {  	[dreg:$0x3] =	wrdreg s2  }
0xa7: {  	[dreg:$0x4] =	wrdreg $0xC0  }
0xa8: {  	_ =	task [dreg:s4], $0x5FFFF  }
0xa9: {  	[dreg:$0x1] =	wrdreg $0xFFFFFFFF  }
0xaa: {  	[dreg:$0x0] =	wrdreg $0x60  }
0xab: {  	[dreg:$0x2] =	wrdreg s22  }
0xac: {  	[dreg:$0x3] =	wrdreg $0x9  }
0xad: {  	_ =	task.clear_ibuf [dreg:s4], $0x4FFFF;
	_ =	strace $0x90000046  }
0xae: {  	s26 =	simm.s32 $0x9;
	_ =	strace $0x80000048  }
0xaf: {  	_ =	swait.ge [sflag:s26], $0x1  }
0xb0: {  	[sflag:s26] =	ssyncadd.s32 $0xFFFFFFFF  }
0xb1: {  	_ =	strace $0x90000048  }
0xb2: {  	_ =	sfence  }
0xb3: {  	s28 =	sld [smem:$0x0];
	_ =	sdelay $0x1  }
0xb4: {  	s29 =	srdreg.scid  }
0xb5: {  	s30 =	sshll.u32 s29, $0xD;
	s31 =	sshrl.u32 s29, $0x2  }
0xb6: {  	s1 =	sand.u32 $0x1, s29;
	s2 =	sand.u32 $0x4000, s30;
	s0 =	sadd.s32 s31, s28  }
0xb7: {  	s1 =	sor.u32 s2, s1;
	s0 =	sshll.u32 s0, $0x11  }
0xb8: {  	s0 =	sor.u32 s0, s1  }
0xb9: {  	s0 =	sadd.s32 $0x8F2B, s0  }
0xba: {  	[sflag:s0] =	ssyncadd.remote.s32 $0x1  }
0xbb: {  	_ =	sfence.sel $0xFFFF  }
0xbc: {  	[dreg:$0x0] =	wrdreg $0xFFFFFFFF;
	(pc) =	sbr.abs _section_cstart, $3  }
0xbd: {  	[dreg:$0x1] =	wrdreg $0xFFFFFFFF  }
0xbe: {  	_ =	task.clear_ibuf [dreg:s4], $0x2FFFF;
	_ =	strace $0x9FFFFFFF  }
0xbf: {  	(tm) =	ssettm $0x7FFFFFFF  }
tec
execute0_lowered:
.L_overlay_start_1:
0x0: {  	(tag) =	ssettag $0x1  }
0x1: {  	s0 =	rddreg [dreg:$0x0];
	_ =	strace $0x80000047;
	s15 =	stileid.u32  }
0x2: {  	s2 =	simm.s32 $0x1;
	s1 =	smin.u32 s15, $0x8;
	s3 =	sshll.u32 s15, $0x1  }
0x3: {  	v1 =	vimm.s32 $0xFFFFFFFF;
	[sflag:s2] =	ssyncpa.u1 $0x0;
	s1 =	sadd.s32 s1, s3  }
0x4: {  	p0 =	slt.u32 s15, $0x8;
	[tilespmem:$0x10] =	vst v1;
	s4 =	smul.u32 $0x1F40, s1;
	s1 =	simm.s32 $0x5DC0  }
0x5: {  	v0 =	vimm.f32 $0.0e+00;
	[tilespmem:$0x20] =	vst v1;
	s1 =	simm.s32 @!p0 $0x3E80  }
0x6: {  	[tilespmem:$0x30] =	vst v0;
	s1 =	sadd.s32 s1, s4  }
0x7: {  	[tilespmem:$0x40] =	vst v0;
	s5 =	smin.u32 s1, $0x4E200  }
0x8: {  	s7 =	simm.s32 $0x2;
	s8 =	simm.s32 $0x8;
	[tilespmem:$0x50] =	vst v0;
	s9 =	ssub.s32 s5, s4  }
0x9: {  	s31 =	simm.s32 $0x9;
	s16 =	simm.s32 $0x0;
	[tilespmem:$0x60] =	vst v1;
	p0 =	sgt.s32 s9, $0x0  }
0xa: {  	s17 =	simm.s32 $0xF0;
	s18 =	simm.s32 $0xFFFFFFFF;
	[tilespmem:$0x70] =	vst v1;
	s9 =	simm.s32 @!p0 $0x0  }
0xb: {  	s19 =	simm.s32 $0xFFFFC280;
	s20 =	simm.s32 $0xFFFFFFFE;
	[tilespmem:$0x80] =	vst v1;
	s30 =	smulhi.u32 $0x10624DD3, s9  }
0xc: {  	s21 =	simm.s32 $0xF;
	s25 =	simm.s32 $0x0;
	s24 =	simm.s32 $0x0;
	v1 =	vimm.s32 $0x0;
	[tilespmem:$0xB0] =	vst v0  }
0xd: {  	s6 =	sadd.s32 $0x17000, s0;
	s15 =	sshllo.u32 s15, $0x1;
	[tilespmem:$0x90] =	vst v1;
	s10 =	sshrl.u32 s30, $0x9  }
0xe: {  	[tilespmem:$0xA0] =	vst v1;
	[sflag:s7] =	ssyncpa.u1 $0x0;
	s7 =	simm.s32 $0x7;
	s11 =	smul.u32 $0x1F40, s10  }
.Ltmp0:
0xf: {  	s13 =	sor.u32 $0x80, s3;
	[sflag:s7] =	ssyncpa.u1 $0x0;
	(pc) =	sbr.rel .LBB2_1-.Ltmp0, $4  }
0x10: {  	s14 =	sor.u32 $0x81, s3;
	[sflag:s8] =	ssyncpa.u1 $0x0;
	p0 =	sne.s32 s9, s11  }
0x11: {  	s23 =	smov.u32 s4;
	s1 =	sadd.s32 $0x2AE00, s0;
	s2 =	simm.s32 @!p0 $0x0  }
0x12: {  	vm0 =	vmmov $0xffff;
	v2 =	vlaneseq.u32;
	[sflag:s31] =	ssyncpa.u1 $0x0;
	s9 =	sadd.s32 $0x20E00, s0;
	s10 =	sadd.s32 s2, s10  }
0x13: {  	vm1 =	vmxor vm1, vm1;
	vm2 =	vmmov $0x1;
	vm3 =	vcmask $0x3F3C;
	p0 =	por $0x0, $0x0;
	s11 =	sadd.s32 $0x1, s10;
	s12 =	sadd.s32 $0x2, s10  }
.LBB2_9:
0x14: {  	p1 =	slt.u32 s24, $0x3  }
0x15: {  	s0 =	simm.s32 @!p1 $0x2  }
0x16: {  	_ =	swait.ge @!p1 [sflag:s0], $0x1F40  }
0x17: {  	[sflag:s0] =	ssyncset.done @!p1 $0x0  }
0x18: {  	[sflag:s0] =	ssyncadd.s32 @!p1 $0xFFFFE0C0;
	s0 =	simm.s32 @!p1 $0x9  }
0x19: {  	_ =	swait.ge @!p1 [sflag:s0], $0x10  }
0x1a: {  	[sflag:s0] =	ssyncset.done @!p1 $0x0  }
0x1b: {  	[sflag:s0] =	ssyncadd.s32 @!p1 $0xFFFFFFF0;
	p1 =	sne.s32 s24, s12  }
.Ltmp1:
0x1c: {  	s2 =	sadd.s32 $0x1F40, s23;
	(pc) =	sbr.rel @!p1 .LBB2_10-.Ltmp1, $4  }
0x1d: {  	s22 =	smov.u32 s4;
	s31 =	sadd.s32 $0x1, s24;
	s17 =	sadd.s32 $0x1F40, s17  }
0x1e: {  	s18 =	sadd.s32 $0x1, s18;
	s25 =	smov.u32 s23;
	p2 =	slt.s32 s2, s5  }
0x1f: {  	p0 =	por !p0, !p0;
	s19 =	sadd.s32 $0x1F40, s19;
	s22 =	smov.u32 @p2 s2  }
0x20: {  	s20 =	sadd.s32 $0x1, s20;
	s23 =	smov.u32 s22;
	s24 =	smov.u32 s31  }
.LBB2_1:
0x21: {  	p1 =	sge.u32 s24, s10  }
0x22: {  	s0 =	smulhi.u32 @!p1 $0xAAAAAAAB, s24;
	_ =	sdelay $0x1  }
0x23: {  	s0 =	sshrl.u32 @!p1 s0, $0x1  }
0x24: {  	s0 =	smul.u32 @!p1 $0x3, s0;
	_ =	sdelay $0x1  }
0x25: {  	s0 =	ssub.s32 @!p1 s24, s0  }
0x26: {  	s0 =	smul.u32 @!p1 $0x7D00, s0;
	_ =	sdelay $0x1  }
0x27: {  	s2 =	sshrl.u32 @!p1 s23, $0x3;
	s0 =	sshrl.u32 @!p1 s0, $0x2  }
0x28: {  	s22 =	sand.u32 @!p1 $0x7, s23;
	s2 =	sadd.s32 @!p1 s6, s2;
	s0 =	sadd.s32 @!p1 $0x100, s0  }
0x29: {  	[tilespmem:s0], [sflag:$0x7] =	stream.linear.gather @!p1 [hbm4b:s2+s22], $0x1F40, $0x38;
	[tilespmem:$0x11A60] =	vst v63  }
0x2a: {  	s0 =	sadd.s32 $0xFFFFFFFF, s24  }
0x2b: {  	p1 =	sge.u32 s0, s10  }
.Ltmp2:
0x2c: {  	_ = 	snop;
	(pc) =	sbr.rel @p1 .LBB2_5-.Ltmp2, $1  }
0x2d: {  	_ =	sdelay $0x3  }
0x2e: {  	s2 =	smulhi.u32 $0xAAAAAAAB, s0;
	_ =	sdelay $0x1  }
0x2f: {  	s2 =	sshrl.u32 s2, $0x1  }
0x30: {  	s2 =	smul.u32 $0x3, s2;
	_ =	sdelay $0x1  }
0x31: {  	s2 =	ssub.s32 s0, s2  }
0x32: {  	s2 =	smul.u32 $0x7D00, s2  }
0x33: {  	_ =	swait.ge [sflag:s7], $0x1F40  }
0x34: {  	[sflag:s7] =	ssyncset.done $0x0;
	s2 =	sshrl.u32 s2, $0x2  }
0x35: {  	[sflag:s7] =	ssyncadd.s32 $0xFFFFE0C0;
	(ifvalue) =	ssetifvalue $0xFFFFFFFF;
	v3 =	vld.msk [tilespmem:s2+$0x100 ss:$0x1], $0xffff;
	_ =	sdelay $0x2  }
0x36: {  	s30 =	smulhi.u32 $0xAAAAAAAB, s18;
	p1 =	sne.s32 s24, $0x1  }
0x37: {  	v4 =	vimm.s32 @!p1 $0x0  }
0x38: {  	s2 =	sshrl.u32 s30, $0x1;
	v4 =	vperm.xlane @!p1 v3, v4  }
0x39: {  	s22 =	sshll.u32 s24, $0x4;
	s2 =	smul.u32 $0xFFFE8900, s2;
	vm4 =	vlt.u32 v3, $0x2800  }
0x3a: {  	s22 =	sand.u32 $0x10, s22;
	v3 =	vnsel vm4, $0xFFFFFFFE, v3;
	vm4 =	vlt.u32 @!p1 v4, $0x2800  }
0x3b: {  	s2 =	sshra.s32 s2, $0x2;
	[tilespmem:s22+$0x60] =	vst v3;
	v3 =	vnsel @!p1 vm4, $0xFFFFFFFE, v4  }
0x3c: {  	s28 =	sadd.s32 s2, s17;
	[tilespmem:$0x80] =	vst @!p1 v3  }
0x3d: {  	v3 =	vld.msk [tilespmem:s28+$0x0 ss:$0x1], $0xffff;
	_ =	sdelay $0x4  }
0x3e: {  	(xrf1) =	vunique.msk.u32 $0xffff, v3;
	_ =	sdelay $0xd  }
0x3f: {  	v4 =	vimm.s32 $0xFFFFFFFF;
	v5, _, _ =	vpop (xrf1)  }
0x40: {  	vm5 =	vne.s32 v3, v4;
	vm4 =	veq.s32 v5, v2  }
0x41: {  	vm6 =	vlt.u32 v3, $0x2800;
	vm4 =	vmand vm5, vm4  }
0x42: {  	vm4 =	vmand vm6, vm4  }
0x43: {  	v4 =	vnsel vm4, $0xFFFFFFFF, v3  }
0x44: {  	s31 =	sand.u32 $0x1, s0  }
0x45: {  	s0 =	simm.s32 $0x1F40;
	p1 =	seq.s32 s31, $0x1  }
0x46: {  	s0 =	simm.s32 @!p1 $0x0  }
0x47: {  	s26 =	sadd.s32 $0x7DF0, s0;
	(ifvalue) =	ssetifvalue $0xFFFFFFFF  }
0x48: {  	v3 =	vperm.xlane v3, v1;
	[tilespmem:s26], [sflag:$0x8] =	stream.indirect_vreg.gather [hbm4b:s1+s16], $0x1, v4, vm0, $0x4038;
	v4 =	vnsel vm6, $0xFFFFFFFE, v4;
	[tilespmem:$0x11A60] =	vst v63  }
0x49: {  	s2 =	simm.s32 $0x0;
	s22 =	sadd.s32 $0xFFFFFFF0, s28;
	[tilespmem:s28+$0x0] =	vst v4  }
.LBB2_3:
0x4a: {  	v4 =	vld.msk [tilespmem:s22+$0x0 ss:$0x1], $0xffff;
	s2 =	sadd.s32 $0x10, s2;
	v5 =	vmov v3;
	s28 =	smov.u32 s22  }
0x4b: {  	p1 =	slt.u32 s2, $0x1F30;
	_ =	sdelay $0x4  }
0x4c: {  	v3 =	vperm.xlane v4, v1;
	(xrf1) =	vunique.msk.u32 $0xffff, v4;
	_ =	sdelay $0xd  }
0x4d: {  	v6, _, _ =	vpop (xrf1)  }
0x4e: {  	vm5 =	vne.s32 v4, v5;
	vm4 =	veq.s32 v6, v2  }
0x4f: {  	vm6 =	vlt.u32 v4, $0x2800;
	vm4 =	vmand vm5, vm4  }
0x50: {  	vm4 =	vmand vm6, vm4  }
0x51: {  	v4 =	vnsel vm4, $0xFFFFFFFF, v4  }
.Ltmp3:
0x52: {  	v5 =	vnsel vm6, $0xFFFFFFFE, v4;
	(pc) =	sbr.rel @p1 .LBB2_3-.Ltmp3, $3  }
0x53: {  	_ =	sdelay $0x1  }
0x54: {  	s22 =	sadd.s32 $0xFFFFFFF0, s22;
	s26 =	sadd.s32 $0xFFFFFFF0, s26;
	(ifvalue) =	ssetifvalue $0xFFFFFFFF  }
0x55: {  	[tilespmem:s26], [sflag:$0x8] =	stream.indirect_vreg.gather [hbm4b:s1+s16], $0x1, v4, vm0, $0x4038;
	[tilespmem:s28+$0x0] =	vst v5  }
0x56: {  	s2 =	sshrl.u32 s25, $0x3  }
0x57: {  	s0 =	sadd.s32 $0x9D40, s0;
	s2 =	sadd.s32 s9, s2  }
0x58: {  	[tilespmem:s0], [sflag:$0x8] =	stream.linear.gather [hbm:s2], $0x1F40, $0x38;
	[tilespmem:$0x11A60] =	vst v63  }
.LBB2_5:
0x59: {  	p1 =	slt.u32 s24, $0x2  }
0x5a: {  	p2 =	sge.u32 @!p1 s24, s12  }
0x5b: {  	p1 =	por p1, p2  }
.Ltmp4:
0x5c: {  	_ = 	snop;
	(pc) =	sbr.rel @p1 .LBB2_9-.Ltmp4, $1  }
0x5d: {  	_ =	sdelay $0x3  }
0x5e: {  	s0 =	sadd.s32 $0xFFFFFFFE, s24  }
0x5f: {  	s2 =	smulhi.u32 $0xAAAAAAAB, s0;
	_ =	sdelay $0x1  }
0x60: {  	s2 =	sshrl.u32 s2, $0x1  }
0x61: {  	s2 =	smul.u32 $0x3, s2;
	_ =	sdelay $0x1  }
0x62: {  	s0 =	ssub.s32 s0, s2  }
0x63: {  	_ =	swait.ge [sflag:s8], $0x3E80;
	s0 =	smul.u32 $0x1F40, s0  }
0x64: {  	p1 =	sne.s32 s24, s11;
	[sflag:s8] =	ssyncset.done $0x0  }
0x65: {  	[sflag:s8] =	ssyncadd.s32 $0xFFFFC180;
	s2 =	sadd.s32 @!p1 $0x203F, s0  }
0x66: {  	[spmem:s14] =	stream.linear.scatter @!p1 [tilespmem:s2], [sflag:$0x1], $0x1, $0x38;
	[tilespmem:$0x11A60] =	vst v63  }
0x67: {  	s2 =	simm.s32 @!p1 $0x1  }
0x68: {  	_ =	swait.ge @!p1 [sflag:s2], $0x1  }
0x69: {  	s22 =	sshll.u32 s24, $0x4;
	[sflag:s2] =	ssyncset.done @!p1 $0x0  }
0x6a: {  	s25 =	sand.u32 $0x10, s22;
	[sflag:s2] =	ssyncadd.s32 @!p1 $0xFFFFFFFF  }
0x6b: {  	s2 =	sxor.u32 $0x10, s25;
	v4 =	vld [tilespmem:s25+$0x10]  }
0x6c: {  	v5 =	vld [tilespmem:s2+$0x60]  }
0x6d: {  	v3 =	vld [tilespmem:$0x80];
	_ =	sdelay $0x2  }
0x6e: {  	(v2sf) =	vpush v4, $0x0  }
0x6f: {  	(v2sf) =	vpush v5, $0x0  }
0x70: {  	(v2sf) =	vpush v3, $0x0;
	_ =	sdelay $0xc  }
0x71: {  	s22 =	spop (v2sf)  }
0x72: {  	s26 =	spop (v2sf)  }
0x73: {  	s28 =	spop (v2sf)  }
0x74: {  	p2 =	seq.s32 s22, s26;
	p3 =	seq.s32 s28, s22  }
0x75: {  	p3 =	por p2, p3  }
0x76: {  	s26 =	sand.u32 $0x1, s24;
	v4 =	vpsel p3, $0xFFFFFFFF, v4  }
0x77: {  	s29 =	smul.u32 $0x1F40, s26;
	[tilespmem:s25+$0x10] =	vst.msk $0x1, v4  }
0x78: {  	v4 =	vld [tilespmem:$0x30]  }
0x79: {  	v5 =	vld [tilespmem:s29+$0x9D40]  }
0x7a: {  	v6 =	vld [tilespmem:s25+$0x40];
	_ =	sdelay $0x3  }
0x7b: {  	vm4 =	vmmov vm1;
	v5 =	vadd.f32 v5, v4  }
0x7c: {  	vm5 =	vmmov vm2;
	vm4 =	vmmov @p2 vm2;
	s22 =	sshll.u32 s26, $0x4;
	v4 =	vadd.f32 v6, v4  }
0x7d: {  	s26 =	sor.u32 $0x11A40, s22;
	vm5 =	vmmov @p3 vm1;
	[tilespmem:s29+$0x9D40] =	vst.msk vm4, v5  }
0x7e: {  	[tilespmem:s26+$0x0] =	vst.msk vm5, v4  }
0x7f: {  	v4 =	vld [tilespmem:s29+$0x7DF0];
	_ =	sdelay $0x3  }
0x80: {  	v5 =	vimm.f32 $0.0e+00  }
0x81: {  	v4 =	vshift.insert v4, v5, s21  }
0x82: {  	s22 =	sor.u32 $0x40, s2  }
0x83: {  	[tilespmem:s22+$0x0] =	vst.msk $0x1, v4  }
0x84: {  	[tilespmem:s29+$0x7DFF] =	vst.msk $0x1, v5  }
0x85: {  	v4 =	vld [tilespmem:s0+$0x2030];
	_ =	sdelay $0x1  }
0x86: {  	s22 =	smulhi.u32 $0xAAAAAAAB, s20;
	s0 =	simm.s32 $0x1  }
0x87: {  	s0 =	simm.s32 @!p0 $0x0  }
0x88: {  	s22 =	sshrl.u32 s22, $0x1;
	s0 =	smul.u32 $0x7D00, s0  }
0x89: {  	s22 =	smul.u32 $0xFFFE8900, s22;
	v4 =	vshift.insert v4, v1, s21  }
0x8a: {  	s0 =	sshrl.u32 s0, $0x2  }
0x8b: {  	s22 =	sshra.s32 s22, $0x2;
	s30 =	sadd.s32 $0x9D40, s0;
	[tilespmem:s2+$0x10] =	vst.msk $0x1, v4  }
0x8c: {  	s22 =	sadd.s32 s22, s19;
	v6 =	vld [tilespmem:s30+$0x0]  }
0x8d: {  	v7 =	vld [tilespmem:s22+$0x0];
	_ =	sdelay $0x3  }
0x8e: {  	v5 =	vadd.f32 v6, v5  }
0x8f: {  	vm4 =	vne.s32 v7, $0xFFFFFFFF  }
0x90: {  	(xrf2) =	vadd.seg.scan.f32 vm4, v5;
	_ =	sdelay $0x3  }
0x91: {  	s31 =	sadd.s32 $0x5EC0, s0;
	v5 =	vperm.xlane v4, v1  }
0x92: {  	v6 =	vld [tilespmem:s31+$0x0]  }
0x93: {  	vm5 =	veq.s32 v7, v3;
	vm6 =	veq.s32 v7, v5  }
0x94: {  	vm7 =	vgt.u32 v7, $0xFFFFFFFD;
	vm6 =	vmor vm6, vm5  }
0x95: {  	vm6 =	vmor vm6, vm7  }
0x96: {  	v9 =	vld [tilespmem:$0xA0];
	v7 =	vsel vm6, $0xFFFFFFFF, v7  }
0x97: {  	v10 =	vld [tilespmem:$0x90];
	v6 =	vsel vm5, $0x0, v6;
	v8, _, _ =	vpop (xrf2)  }
0x98: {  	v6 =	vadd.f32 v8, v6  }
0x99: {  	s0 =	sadd.s32 $0xDBC0, s0  }
0x9a: {  	vm4 =	vmand vm4, vm3;
	[tilespmem:s0+$0x0] =	vst v6;
	(ifvalue) =	ssetifvalue $0xFFFFFFFF  }
0x9b: {  	vm6 =	veq.s32 v9, $0x1;
	[hbm4b:s1+s16] =	stream.indirect_vreg.scatter [tilespmem:s0], [sflag:$0x2], $0x1, v7, vm0, $0x4038;
	v7 =	vsel vm4, $0x0, v8;
	[tilespmem:$0x11A60] =	vst v63  }
0x9c: {  	s2 =	simm.s32 $0x0;
	s22 =	sadd.s32 $0x10, s22;
	vm4 =	vmor vm6, vm5;
	v6 =	vsel vm5, v8, v10;
	v7 =	vshift.insert v7, v0, s21  }
.LBB2_7:
0x9d: {  	v8 =	vld [tilespmem:s22+$0x0];
	s30 =	sadd.s32 $0x10, s30  }
0x9e: {  	s31 =	sadd.s32 $0x10, s31;
	v9 =	vld [tilespmem:s30+$0x0]  }
0x9f: {  	s2 =	sadd.s32 $0x10, s2;
	v10 =	vld [tilespmem:s31+$0x0]  }
0xa0: {  	p2 =	slt.u32 s2, $0x1F30;
	_ =	sdelay $0x2  }
0xa1: {  	v7 =	vadd.f32 v9, v7  }
0xa2: {  	vm5 =	vne.s32 v8, $0xFFFFFFFF  }
0xa3: {  	vm6 =	vmand vm5, vm3;
	(xrf2) =	vadd.seg.scan.f32 vm5, v7;
	_ =	sdelay $0x5  }
0xa4: {  	vm7 =	veq.s32 v8, v5;
	vm5 =	veq.s32 v8, v3  }
0xa5: {  	vm8 =	vgt.u32 v8, $0xFFFFFFFD;
	vm4 =	vmor vm4, vm5;
	vm7 =	vmor vm7, vm5  }
0xa6: {  	vm7 =	vmor vm7, vm8  }
0xa7: {  	v8 =	vsel vm7, $0xFFFFFFFF, v8  }
.Ltmp5:
0xa8: {  	v7 =	vsel vm5, $0x0, v10;
	v9, _, _ =	vpop (xrf2);
	(pc) =	sbr.rel @p2 .LBB2_7-.Ltmp5, $4  }
0xa9: {  	v6 =	vsel vm5, v9, v6;
	v10 =	vadd.f32 v9, v7;
	v7 =	vsel vm6, $0x0, v9  }
0xaa: {  	s0 =	sadd.s32 $0x10, s0;
	v7 =	vshift.insert v7, v0, s21  }
0xab: {  	s22 =	sadd.s32 $0x10, s22;
	[tilespmem:s0+$0x0] =	vst v10;
	(ifvalue) =	ssetifvalue $0xFFFFFFFF  }
0xac: {  	[hbm4b:s1+s16] =	stream.indirect_vreg.scatter [tilespmem:s0], [sflag:$0x2], $0x1, v8, vm0, $0x4038;
	[tilespmem:$0x11A60] =	vst v63  }
0xad: {  	v3 =	vld [tilespmem:s29+$0xFAF0];
	_ =	sdelay $0x4  }
0xae: {  	v3 =	vshift.insert v3, v0, s21  }
0xaf: {  	s0 =	simm.s32 $0x30  }
0xb0: {  	[tilespmem:s0+$0x0] =	vst.msk $0x1, v3  }
0xb1: {  	v3 =	vsel vm4, $0x1, v1;
	[tilespmem:$0x90] =	vst v6  }
0xb2: {  	s0 =	sadd.s32 @!p1 $0xFAFF, s29;
	[tilespmem:$0xA0] =	vst v3  }
0xb3: {  	[spmem:s15] =	stream.linear.scatter @!p1 [tilespmem:s0], [sflag:$0x1], $0x1, $0x38;
	[tilespmem:$0x11A60] =	vst v63  }
0xb4: {  	s0 =	simm.s32 @!p1 $0x1  }
0xb5: {  	v3 =	vmctz.xlane @!p1 vm4;
	_ =	swait.ge @!p1 [sflag:s0], $0x1  }
0xb6: {  	(v2sf) =	vpush @!p1 v4, $0x0  }
0xb7: {  	(v2sf) =	vpush @!p1 v3, $0x0;
	_ =	sdelay $0xd  }
0xb8: {  	s2 =	spop @!p1 (v2sf)  }
0xb9: {  	s22 =	spop @!p1 (v2sf)  }
0xba: {  	p2 =	sne.s32 @!p1 s28, s2;
	p3 =	slt.s32 @!p1 s22, $0xF  }
0xbb: {  	[sflag:s0] =	ssyncset.done @!p1 $0x0;
	p2 =	por p2, p1;
	p3 =	por !p3, p1  }
0xbc: {  	[sflag:s0] =	ssyncadd.s32 @!p1 $0xFFFFFFFF;
	v3 =	vimm.s32 @!p2 $0xFFFFFFFF;
	s22 =	simm.s32 @p3 $0xF  }
0xbd: {  	[tilespmem:$0x80] =	vst @!p2 v3;
	s2 =	sadd.s32 @!p1 $0x90, s22  }
0xbe: {  	[spmem:s3] =	stream.linear.scatter @!p1 [tilespmem:s2], [sflag:$0x1], $0x1, $0x38;
	[tilespmem:$0x11A60] =	vst v63  }
0xbf: {  	_ =	swait.ge @!p1 [sflag:s0], $0x1  }
0xc0: {  	[sflag:s0] =	ssyncset.done @!p1 $0x0  }
0xc1: {  	s2 =	simm.s32 @!p1 $0x80;
	[sflag:s0] =	ssyncadd.s32 @!p1 $0xFFFFFFFF  }
0xc2: {  	[spmem:s13] =	stream.linear.scatter @!p1 [tilespmem:s2], [sflag:$0x1], $0x1, $0x38;
	[tilespmem:$0x11A60] =	vst v63  }
0xc3: {  	_ =	swait.ge @!p1 [sflag:s0], $0x1  }
0xc4: {  	[sflag:s0] =	ssyncset.done @!p1 $0x0  }
0xc5: {  	[sflag:s0] =	ssyncadd.s32 @!p1 $0xFFFFFFFF;
	(ifvalue) =	ssetifvalue $0xFFFFFFFF;
	v3 =	vld [tilespmem:s25+$0x10];
	_ =	sdelay $0x3  }
.Ltmp6:
0xc6: {  	_ = 	snop;
	(pc) =	sbr.rel .LBB2_9-.Ltmp6, $3  }
0xc7: {  	_ =	sdelay $0x1  }
0xc8: {  	(ifvalue) =	ssetifvalue $0xFFFFFFFF  }
0xc9: {  	[hbm4b:s1+s16] =	stream.indirect_vreg.scatter [tilespmem:s26], [sflag:$0x9], $0x1, v3, vm0, $0x4038;
	[tilespmem:$0x11A60] =	vst v63  }
.LBB2_10:
0xca: {  	_ =	sfence.sel $0x180000  }
0xcb: {  	s0 =	simm.s32 $0x7;
	[bflag:$0x0] =	sbarrier.arrive $0xFFFF  }
0xcc: {  	s26 =	simm.s32 $0x8;
	[sflag:s0] =	ssyncpa.u1 $0x1  }
0xcd: {  	s28 =	simm.s32 $0x9;
	[sflag:s26] =	ssyncpa.u1 $0x1  }
0xce: {  	[sflag:s28] =	ssyncpa.u1 $0x1  }
0xcf: {  	_ =	sfence.stream.spmem  }
0xd0: {  	s29 =	simm.s32 $0x3;
	[bflag:$0x0] =	sbarrier.arrive $0xFFFF  }
0xd1: {  	s30 =	simm.s32 $0x4;
	[sflag:s29] =	ssyncpa.u1 $0x1  }
0xd2: {  	s31 =	simm.s32 $0x3C;
	s2 =	stileid.u32;
	[sflag:s30] =	ssyncpa.u1 $0x1  }
0xd3: {  	p0 =	sne.s32 s2, $0x0;
	[sflag:s31] =	ssyncpa.u1 $0x1  }
0xd4: {  	s0 =	simm.s32 @p0 $0x1;
	_ =	sfence @p0  }
0xd5: {  	[sflag:s0] =	ssyncpa.u1 @p0 $0x1;
	s0 =	simm.s32 @p0 $0x2  }
0xd6: {  	[sflag:s0] =	ssyncpa.u1 @p0 $0x1  }
0xd7: {  	_ =	strace @p0 $0x90000047  }
0xd8: {  	[bflag:$0x2] =	sbarrier.arrive @p0 $0xFFFF  }
0xd9: {  	_ =	shalt @p0  }
.LBB2_11:
0xda: {  	_ =	sfence.stream.spmem;
	s0 =	simm.s32 $0x5  }
0xdb: {  	s2 =	simm.s32 $0x80;
	s3 =	simm.s32 $0xC0;
	[sflag:s0] =	ssyncpa.u1 $0x0  }
0xdc: {  	[tilespmem:s3], [sflag:$0x5] =	stream.linear.gather [spmem:s2], $0x20, $0x38;
	[tilespmem:$0x11A60] =	vst v63  }
0xdd: {  	s2 =	simm.s32 $0x0;
	s3 =	simm.s32 $0xE0  }
0xde: {  	[tilespmem:s3], [sflag:$0x5] =	stream.linear.gather [spmem:s2], $0x20, $0x38;
	[tilespmem:$0x11A60] =	vst v63  }
.Ltmp7:
0xdf: {  	_ = 	snop;
	(pc) =	sbr.rel .LBB2_12-.Ltmp7, $4  }
0xe0: {  	_ =	swait.ge [sflag:s0], $0x40  }
0xe1: {  	[sflag:s0] =	ssyncset.done $0x0  }
0xe2: {  	s31 =	simm.s32 $0x6;
	[sflag:s0] =	ssyncadd.s32 $0xFFFFFFC0  }
0xe3: {  	s4 =	simm.s32 $0x0;
	[sflag:s31] =	ssyncpa.u1 $0x0  }
.LBB2_17:
0xe4: {  	p0 =	sgt.u32 s5, $0x27FF  }
0xe5: {  	s0 =	sshrl.u32 @!p0 s5, $0x3  }
0xe6: {  	s5 =	sand.u32 @!p0 $0x7, s5;
	s6 =	simm.s32 @!p0 $0xB0;
	s0 =	sadd.s32 @!p0 s1, s0  }
0xe7: {  	[tilespmem:s6], [sflag:$0x6] =	stream.linear.gather @!p0 [hbm4b:s0+s5], $0x1, $0x38;
	[tilespmem:$0x11A60] =	vst v63  }
0xe8: {  	s0 =	simm.s32 @!p0 $0x6  }
0xe9: {  	_ =	swait.ge @!p0 [sflag:s0], $0x1  }
0xea: {  	[sflag:s0] =	ssyncset.done @!p0 $0x0  }
0xeb: {  	[sflag:s0] =	ssyncadd.s32 @!p0 $0xFFFFFFFF  }
0xec: {  	v2 =	vmov @!p0 s4;
	v1 =	vld.msk @!p0 [tilespmem:$0xB0], $0x1;
	_ =	sdelay $0x3  }
0xed: {  	s0 =	simm.s32 @!p0 $0xE0  }
0xee: {  	[tilespmem:v2+s0+$0x0], v1 =	vst.idx.ret.add.f32.msk @!p0 $0x1, v1  }
0xef: {  	[tilespmem:s2+$0xC0] =	vst.msk $0x1, v0  }
0xf0: {  	v0 =	vld.msk [tilespmem:s4+$0xE0], $0x1;
	_ =	sdelay $0x4  }
0xf1: {  	[tilespmem:s2+$0xE0] =	vst.msk $0x1, v0;
	s2 =	sadd.s32 $0x1, s2  }
.LBB2_19:
0xf2: {  	s4 =	sadd.s32 $0x1, s4  }
0xf3: {  	p0 =	sne.s32 s4, $0x20  }
.Ltmp8:
0xf4: {  	_ = 	snop;
	(pc) =	sbr.rel @!p0 .LBB2_20-.Ltmp8, $1  }
0xf5: {  	_ =	sdelay $0x3  }
.LBB2_12:
0xf6: {  	v0 =	vld.msk [tilespmem:s4+$0xC0], $0x1;
	_ =	sdelay $0x4  }
0xf7: {  	(v2sf) =	vpush v0, $0x0;
	_ =	sdelay $0xe  }
0xf8: {  	s5 =	spop (v2sf)  }
0xf9: {  	p0 =	seq.s32 s5, $0xFFFFFFFF  }
.Ltmp9:
0xfa: {  	_ = 	snop;
	(pc) =	sbr.rel @p0 .LBB2_19-.Ltmp9, $1  }
0xfb: {  	_ =	sdelay $0x3  }
0xfc: {  	p0 =	slt.s32 s2, $0x1  }
.Ltmp10:
0xfd: {  	_ = 	snop;
	(pc) =	sbr.rel @p0 .LBB2_17-.Ltmp10, $1  }
0xfe: {  	_ =	sdelay $0x3  }
0xff: {  	s0 =	simm.s32 $0xC0;
	p0 =	por $0x0, $0x0  }
0x100: {  	v1 =	vld.msk @!p0 [tilespmem:s0+$0x0], $0x1;
	_ =	sdelay $0x4  }
0x101: {  	(v2sf) =	vpush @!p0 v1, $0x0;
	_ =	sdelay $0xd  }
0x102: {  	p2 =	sne.s32 s2, $0x1  }
.Ltmp11:
0x103: {  	s6 =	spop @!p0 (v2sf);
	(pc) =	sbr.rel @!p2 .LBB2_16-.Ltmp11, $4  }
0x104: {  	p1 =	seq.s32 @!p0 s5, s6  }
0x105: {  	s6 =	simm.s32 $0x0;
	p1 =	por !p1, p0  }
0x106: {  	s8 =	simm.s32 $0xFFFFFFFF;
	s6 =	simm.s32 @p1 $0xFFFFFFFF  }
0x107: {  	s7 =	simm.s32 $0x1;
	s6 =	smov.u32 @p0 s8  }
.LBB2_15:
0x108: {  	s8 =	smov.u32 s6;
	p0 =	sne.s32 s6, $0xFFFFFFFF  }
0x109: {  	s0 =	sadd.s32 $0x1, s0;
	s6 =	smov.u32 s7;
	s7 =	sadd.s32 $0x1, s7  }
0x10a: {  	p1 =	sne.s32 s2, s7;
	v1 =	vld.msk @!p0 [tilespmem:s0+$0x0], $0x1;
	_ =	sdelay $0x4  }
0x10b: {  	(v2sf) =	vpush @!p0 v1, $0x0;
	_ =	sdelay $0xe  }
.Ltmp12:
0x10c: {  	s9 =	spop @!p0 (v2sf);
	(pc) =	sbr.rel @p1 .LBB2_15-.Ltmp12, $4  }
0x10d: {  	p2 =	seq.s32 @!p0 s5, s9  }
0x10e: {  	p2 =	por !p2, p0  }
0x10f: {  	s6 =	simm.s32 @p2 $0xFFFFFFFF  }
0x110: {  	s6 =	smov.u32 @p0 s8  }
.LBB2_16:
0x111: {  	p0 =	sne.s32 s6, $0xFFFFFFFF  }
.Ltmp13:
0x112: {  	_ = 	snop;
	(pc) =	sbr.rel @!p0 .LBB2_17-.Ltmp13, $1  }
0x113: {  	_ =	sdelay $0x3  }
0x114: {  	v0 =	vld.msk [tilespmem:s4+$0xE0], $0x1;
	v1 =	vmov s6  }
.Ltmp14:
0x115: {  	_ = 	snop;
	(pc) =	sbr.rel .LBB2_19-.Ltmp14, $2  }
0x116: {  	_ =	sdelay $0x2  }
0x117: {  	[tilespmem:v1+s3+$0x0], v0 =	vst.idx.ret.add.f32.msk $0x1, v0  }
.LBB2_20:
0x118: {  	p0 =	slt.s32 s2, $0x1  }
.Ltmp15:
0x119: {  	_ = 	snop;
	(pc) =	sbr.rel @p0 .LBB2_24-.Ltmp15, $3  }
0x11a: {  	_ =	sdelay $0x1  }
0x11b: {  	s0 =	simm.s32 $0x6  }
0x11c: {  	s3 =	simm.s32 $0x0;
	[sflag:s0] =	ssyncpa.u1 $0x1  }
0x11d: {  	s0 =	simm.s32 $0xC0  }
0x11e: {  	v0 =	vld.msk [tilespmem:s0+$0x0], $0x1;
	_ =	sdelay $0x4  }
0x11f: {  	(v2sf) =	vpush v0, $0x0;
	_ =	sdelay $0xe  }
0x120: {  	s2 =	sadd.s32 $0xFFFFFFFF, s2;
	s4 =	spop (v2sf)  }
0x121: {  	p1 =	sne.s32 s2, $0x0;
	p0 =	sgt.u32 s4, $0x27FF  }
.Ltmp16:
0x122: {  	s5 =	sshrl.u32 @!p0 s4, $0x3;
	(pc) =	sbr.rel @!p1 .LBB2_23-.Ltmp16, $4  }
0x123: {  	s0 =	simm.s32 $0xE0;
	s4 =	sand.u32 @!p0 $0x7, s4;
	s5 =	sadd.s32 @!p0 s1, s5  }
0x124: {  	[hbm4b:s5+s4] =	stream.linear.scatter @!p0 [tilespmem:s0], [sflag:$0x5], $0x1, $0x38;
	[tilespmem:$0x11A60] =	vst v63  }
0x125: {  	s5 =	simm.s32 $0x0  }
0x126: {  	s4 =	simm.s32 $0xC1;
	s5 =	simm.s32 @!p0 $0x4  }
.LBB2_22:
0x127: {  	v0 =	vld.msk [tilespmem:s4+$0x0], $0x1;
	s2 =	sadd.s32 $0xFFFFFFFF, s2;
	s3 =	sadd.s32 s3, s5  }
0x128: {  	p0 =	sne.s32 s2, $0x0;
	_ =	sdelay $0x3  }
0x129: {  	(v2sf) =	vpush v0, $0x0;
	_ =	sdelay $0xe  }
.Ltmp17:
0x12a: {  	s6 =	spop (v2sf);
	(pc) =	sbr.rel @p0 .LBB2_22-.Ltmp17, $4  }
0x12b: {  	s5 =	simm.s32 $0x0;
	p1 =	sgt.u32 s6, $0x27FF  }
0x12c: {  	s0 =	sadd.s32 $0x1, s0;
	s5 =	simm.s32 @!p1 $0x4;
	s7 =	sshrl.u32 @!p1 s6, $0x3  }
0x12d: {  	s4 =	sadd.s32 $0x1, s4;
	s6 =	sand.u32 @!p1 $0x7, s6;
	s7 =	sadd.s32 @!p1 s1, s7  }
0x12e: {  	[hbm4b:s7+s6] =	stream.linear.scatter @!p1 [tilespmem:s0], [sflag:$0x5], $0x1, $0x38;
	[tilespmem:$0x11A60] =	vst v63  }
.LBB2_23:
0x12f: {  	s0 =	sadd.s32 s3, s5  }
0x130: {  	s3 =	sshrl.u32 s0, $0x2  }
.LBB2_24:
0x131: {  	s0 =	simm.s32 $0x5  }
0x132: {  	_ =	swait.ge [sflag:s0], s3  }
0x133: {  	s1 =	ssub.s32 $0x0, s3;
	[sflag:s0] =	ssyncset.done $0x0  }
0x134: {  	[sflag:s0] =	ssyncadd.s32 s1  }
0x135: {  	[sflag:s0] =	ssyncpa.u1 $0x1  }
0x136: {  	s29 =	simm.s32 $0x1;
	_ =	sfence  }
0x137: {  	s30 =	simm.s32 $0x2;
	[sflag:s29] =	ssyncpa.u1 $0x1  }
0x138: {  	[sflag:s30] =	ssyncpa.u1 $0x1  }
0x139: {  	_ =	strace $0x90000047  }
0x13a: {  	[bflag:$0x2] =	sbarrier.arrive $0xFFFF  }
0x13b: {  	s31 =	rddreg [dreg:$0x1]  }
0x13c: {  	s0 =	sadd.s32 $0x100000, s31  }
0x13d: {  	[sflag:s0] =	ssyncadd.tile.s32 $0x1;
	_ =	shalt  }
.Lfunc_end2:
_tile_overlayer_lowered:
.L_overlay_start_2:
0x13e: {  	(tag) =	ssettag $0x2  }
0x13f: {  	s0 =	rddreg [dreg:$0x0];
	s2 =	stileid.u32  }
0x140: {  	s1 =	rddreg [dreg:$0x1];
	p0 =	sne.s32 s2, $0x0  }
0x141: {  	s3 =	rddreg [dreg:$0x2];
	[bflag:$0x3] =	sbarrier.arrive $0xFFFF;
	s2 =	simm.s32 @!p0 $0x1C01  }
0x142: {  	[timem:s3], [sflag:s2] =	dma.local @!p0 [hbm:s0], s1  }
0x143: {  	s0 =	simm.s32 @!p0 $0x1  }
0x144: {  	_ =	swait.ge @!p0 [sflag:s0], s1  }
0x145: {  	s1 =	ssub.s32 @!p0 $0x0, s1;
	[sflag:s0] =	ssyncset.done @!p0 $0x0  }
0x146: {  	[sflag:s0] =	ssyncadd.s32 @!p0 s1  }
0x147: {  	[bflag:$0x3] =	sbarrier.arrive $0xFFFF  }
0x148: {  	_ =	shalt  }

</sc_bundles>
